<compile_context>
chip_gen: v7x
topology: tpu7x:2x2x1
jax: 0.10.2.dev20260603
libtpu: 0.0.44.dev20260713+nightly
codegen_flags: <defaults>
</compile_context>

<pallas_src>
import functools
from math import sqrt, pi

import jax
import jax.numpy as jnp
from jax import lax
from jax.experimental import pallas as pl
from jax.experimental.pallas import tpu as pltpu
from jax.experimental.pallas import tpu_sc as plsc

NKERNEL = 128
POSINF = 10.0
EPS = 1e-05

_B = 16
_N = 128
_ROWS = _B * _N
_NW = 32
_RPW = _ROWS // _NW
_NA = 121
_NAPAD = 128

_F32_MIN = jnp.finfo(jnp.float32).min


def _sc_gather(atoms_flat, a_pad, b_pad):
    mesh = plsc.VectorSubcoreMesh(core_axis_name="c", subcore_axis_name="s")

    @functools.partial(
        pl.kernel,
        out_type=(
            jax.ShapeDtypeStruct((_ROWS, _N), jnp.float32),
            jax.ShapeDtypeStruct((_ROWS, _N), jnp.float32),
        ),
        mesh=mesh,
        compiler_params=pltpu.CompilerParams(needs_layout_passes=False),
        scratch_types=[
            pltpu.VMEM((_NA, _NAPAD), jnp.float32),
            pltpu.VMEM((_NA, _NAPAD), jnp.float32),
            pltpu.VMEM((_N,), jnp.int32),
            pltpu.VMEM((_RPW, _N), jnp.float32),
            pltpu.VMEM((_RPW, _N), jnp.float32),
            pltpu.SemaphoreType.DMA,
            pltpu.SemaphoreType.DMA,
            pltpu.SemaphoreType.DMA,
        ],
    )
    def k(atoms_hbm, a_hbm, b_hbm, ag_hbm, bg_hbm,
          a_v, b_v, at_v, ag_v, bg_v, sem_a, sem_b, sem_t):
        wid = lax.axis_index("s") * 2 + lax.axis_index("c")
        row0 = wid * _RPW
        batch = wid // (_N // _RPW)
        i0 = (wid % (_N // _RPW)) * _RPW

        cp_a = pltpu.async_copy(a_hbm, a_v, sem_a)
        cp_b = pltpu.async_copy(b_hbm, b_v, sem_b)
        cp_t = pltpu.async_copy(atoms_hbm.at[pl.ds(batch * _N, _N)], at_v,
                                sem_t)
        cp_t.wait()
        cp_a.wait()
        cp_b.wait()

        ajs = [at_v[pl.ds(jc * 16, 16)] for jc in range(_N // 16)]

        def row_body(r):
            i_splat = jnp.full((16,), i0, jnp.int32) + r
            ai = plsc.load_gather(at_v, [i_splat])
            for jc, aj in enumerate(ajs):
                ag_v[r, pl.ds(jc * 16, 16)] = plsc.load_gather(a_v, [ai, aj])
                bg_v[r, pl.ds(jc * 16, 16)] = plsc.load_gather(b_v, [ai, aj])

        plsc.parallel_loop(0, _RPW, 1, unroll=4)(row_body)
        out_a = pltpu.async_copy(ag_v, ag_hbm.at[pl.ds(row0, _RPW)], sem_a)
        out_b = pltpu.async_copy(bg_v, bg_hbm.at[pl.ds(row0, _RPW)], sem_b)
        out_a.wait()
        out_b.wait()

    return k(atoms_flat, a_pad, b_pad)


_LOG2E = 1.4426950408889634


def _tc_rbf(ag2, bg2, d2, mu2, sigma2):
    rows_per_block = 128
    grid = (_ROWS // rows_per_block,)

    def body(ag_ref, bg_ref, d_ref, mu_ref, sig_ref, o_ref, const_ref):
        @pl.when(pl.program_id(0) == 0)
        def _():
            sig = sig_ref[...]
            const_ref[0:1, :] = mu_ref[...]
            const_ref[1:2, :] = (-0.5 * _LOG2E) / (sig * sig)
            const_ref[2:3, :] = -jnp.log2((jnp.abs(sig) + EPS) * sqrt(2.0 * pi))

        mu = const_ref[0:1, :].reshape(1, 1, NKERNEL)
        s2 = const_ref[1:2, :].reshape(1, 1, NKERNEL)
        lc = const_ref[2:3, :].reshape(1, 1, NKERNEL)
        d = d_ref[...]
        d = jnp.where(jnp.isnan(d), jnp.float32(0.0), d)
        d = jnp.where(d == jnp.inf, jnp.float32(POSINF), d)
        d = jnp.where(d == -jnp.inf, _F32_MIN, d)
        x = ag_ref[...] * d + bg_ref[...]
        u = x[:, :, None] - mu
        o_ref[...] = jnp.exp2((u * u) * s2 + lc)

    return pl.pallas_call(
        body,
        grid=grid,
        in_specs=[
            pl.BlockSpec((rows_per_block, _N), lambda i: (i, 0)),
            pl.BlockSpec((rows_per_block, _N), lambda i: (i, 0)),
            pl.BlockSpec((rows_per_block, _N), lambda i: (i, 0)),
            pl.BlockSpec((1, NKERNEL), lambda i: (0, 0)),
            pl.BlockSpec((1, NKERNEL), lambda i: (0, 0)),
        ],
        out_specs=pl.BlockSpec((rows_per_block, _N, NKERNEL),
                               lambda i: (i, 0, 0)),
        out_shape=jax.ShapeDtypeStruct((_ROWS, _N, NKERNEL), jnp.float32),
        scratch_shapes=[pltpu.VMEM((8, NKERNEL), jnp.float32)],
    )(ag2, bg2, d2, mu2, sigma2)


@jax.jit
def kernel(atoms, distances, mu, sigma, a, b):
    atoms_flat = atoms.reshape(-1).astype(jnp.int32)
    a_pad = jnp.pad(a, ((0, 0), (0, _NAPAD - _NA)))
    b_pad = jnp.pad(b, ((0, 0), (0, _NAPAD - _NA)))
    d2 = distances.reshape(_ROWS, _N)
    ag2, bg2 = _sc_gather(atoms_flat, a_pad, b_pad)
    g = _tc_rbf(ag2, bg2, d2, mu.reshape(1, NKERNEL), sigma.reshape(1, NKERNEL))
    return g.reshape(_B, _N, _N, NKERNEL)

# --- scband reference (transcript-rebuilt; emitter-appended) ---
"""Pipeline reference for scband-gaussian-layer-27702539059861 (READ-ONLY COPY).

The authoritative reference and input builder live on the scoring server;
editing this copy changes nothing except your own understanding.
"""

import jax, jax.numpy as jnp
import numpy as np
from math import sqrt, pi

NKERNEL = 128
POSINF = 10.0
EPS = 1e-05

def setup_inputs(seed: int = 0) -> dict:
    key = jax.random.key(seed)
    k1, k2, k3, k4 = jax.random.split(key, 4)
    atoms = jax.random.randint(k1, (16, 128), 0, 121, dtype=jnp.int32)
    distances = jax.random.uniform(k2, (16, 128, 128), dtype=jnp.float32)
    # learned parameters, sized per init_kwargs and reset_parameters()
    mu = jax.random.uniform(k3, (NKERNEL,), dtype=jnp.float32, minval=0.0, maxval=3.0)
    sigma = jax.random.uniform(k4, (NKERNEL,), dtype=jnp.float32, minval=1.0, maxval=3.0)
    a = jnp.ones((121, 121), dtype=jnp.float32)
    b = jnp.zeros((121, 121), dtype=jnp.float32)
    return {"atoms": atoms, "distances": distances, "mu": mu, "sigma": sigma, "a": a, "b": b}

def reference(atoms, distances, mu, sigma, a, b):
    # pairwise gather: a[atoms_i, atoms_j], b[atoms_i, atoms_j] -> [B, N, N]
    ag = a[atoms[:, :, None], atoms[:, None, :]]
    bg = b[atoms[:, :, None], atoms[:, None, :]]
    d = jnp.nan_to_num(distances, posinf=POSINF)
    x = (ag * d + bg)[..., None]  # [B, N, N, 1] broadcast against nkernel
    g = jnp.exp(-0.5 * jnp.square((x - mu) / sigma)) / ((jnp.abs(sigma) + EPS) * sqrt(2.0 * pi))
    return g

if __name__ == "__main__":
    import jax
    _d = setup_inputs()
    print(jax.jit(kernel)(*tuple(_d.values())))

</pallas_src>

<mosaic_0001>
#map = affine_map<(d0, d1) -> (0)>
#map1 = affine_map<(d0, d1) -> (0, 0)>
module attributes {stable_mosaic.version = 14 : i64} {
  func.func @k(%arg0: i32, %arg1: i32, %arg2: memref<2048xi32, #tpu.memory_space<hbm>>, %arg3: memref<121x128xf32, #tpu.memory_space<hbm>>, %arg4: memref<121x128xf32, #tpu.memory_space<hbm>>, %arg5: memref<2048x128xf32, #tpu.memory_space<hbm>>, %arg6: memref<2048x128xf32, #tpu.memory_space<hbm>>, %arg7: memref<121x128xf32, #tpu.memory_space<vmem>>, %arg8: memref<121x128xf32, #tpu.memory_space<vmem>>, %arg9: memref<128xi32, #tpu.memory_space<vmem>>, %arg10: memref<64x128xf32, #tpu.memory_space<vmem>>, %arg11: memref<64x128xf32, #tpu.memory_space<vmem>>, %arg12: memref<!tpu.dma_semaphore, #tpu.memory_space<semaphore_mem>>, %arg13: memref<!tpu.dma_semaphore, #tpu.memory_space<semaphore_mem>>, %arg14: memref<!tpu.dma_semaphore, #tpu.memory_space<semaphore_mem>>) attributes {dimension_semantics = [#tpu.dimension_semantics<core_parallel>, #tpu.dimension_semantics<subcore_parallel>], iteration_bounds = array<i64: 2, 16>, scalar_prefetch = 0 : i64, scratch_operands = 8 : i64, tpu.core_type = #tpu.core_type<sc_vector_subcore>, window_params = [{transform_indices = #map}, {transform_indices = #map1}, {transform_indices = #map1}, {transform_indices = #map1}, {transform_indices = #map1}]} {
    %mul3A = arith.constant 2 : i32
    %mul3A_0 = arith.muli %arg1, %mul3A : i32
    %add3A = arith.addi %mul3A_0, %arg0 : i32
    %mul3A_1 = arith.constant 64 : i32
    %mul3A_2 = arith.muli %add3A, %mul3A_1 : i32
    %jit3A = arith.constant 2 : i32
    %div3A = arith.divsi %add3A, %jit3A : i32
    %sign3A = arith.constant 0 : i32
    %sign3A_3 = arith.cmpi sgt, %add3A, %sign3A : i32
    %sign3A_4 = arith.extui %sign3A_3 : i1 to i32
    %sign3A_5 = arith.constant 0 : i32
    %sign3A_6 = arith.cmpi slt, %add3A, %sign3A_5 : i32
    %sign3A_7 = arith.extui %sign3A_6 : i1 to i32
    %sign3A_8 = arith.subi %sign3A_4, %sign3A_7 : i32
    %sign3A_9 = arith.constant 0 : i32
    %sign3A_10 = arith.cmpi sgt, %jit3A, %sign3A_9 : i32
    %sign3A_11 = arith.extui %sign3A_10 : i1 to i32
    %sign3A_12 = arith.constant 0 : i32
    %sign3A_13 = arith.cmpi slt, %jit3A, %sign3A_12 : i32
    %sign3A_14 = arith.extui %sign3A_13 : i1 to i32
    %sign3A_15 = arith.subi %sign3A_11, %sign3A_14 : i32
    %ne3A = arith.cmpi ne, %sign3A_8, %sign3A_15 : i32
    %rem3A = arith.remsi %add3A, %jit3A : i32
    %ne3A_16 = arith.constant 0 : i32
    %ne3A_17 = arith.cmpi ne, %rem3A, %ne3A_16 : i32
    %and3A = arith.andi %ne3A, %ne3A_17 : i1
    %sub3A = arith.constant 1 : i32
    %sub3A_18 = arith.subi %div3A, %sub3A : i32
    %select_n3A = arith.select %and3A, %sub3A_18, %div3A : i32
    %jit3A_19 = arith.constant 2 : i32
    %eq3A = arith.constant 0 : i32
    %eq3A_20 = arith.cmpi eq, %jit3A_19, %eq3A : i32
    %jit3A_21 = arith.constant 1 : i32
    %select_n3A_22 = arith.select %eq3A_20, %jit3A_21, %jit3A_19 : i32
    %rem3A_23 = arith.remsi %add3A, %select_n3A_22 : i32
    %ne3A_24 = arith.constant 0 : i32
    %ne3A_25 = arith.cmpi ne, %rem3A_23, %ne3A_24 : i32
    %lt3A = arith.constant 0 : i32
    %lt3A_26 = arith.cmpi slt, %rem3A_23, %lt3A : i32
    %lt3A_27 = arith.constant 0 : i32
    %lt3A_28 = arith.cmpi slt, %select_n3A_22, %lt3A_27 : i32
    %ne3A_29 = arith.xori %lt3A_26, %lt3A_28 : i1
    %and3A_30 = arith.andi %ne3A_29, %ne3A_25 : i1
    %add3A_31 = arith.addi %rem3A_23, %select_n3A_22 : i32
    %select_n3A_32 = arith.select %and3A_30, %add3A_31, %rem3A_23 : i32
    %mul3A_33 = arith.constant 64 : i32
    %mul3A_34 = arith.muli %select_n3A_32, %mul3A_33 : i32
    tpu.enqueue_dma source(%arg3 : memref<121x128xf32, #tpu.memory_space<hbm>>) target(%arg7 : memref<121x128xf32, #tpu.memory_space<vmem>>) target_semaphore(%arg12 : memref<!tpu.dma_semaphore, #tpu.memory_space<semaphore_mem>>)
    tpu.enqueue_dma source(%arg4 : memref<121x128xf32, #tpu.memory_space<hbm>>) target(%arg8 : memref<121x128xf32, #tpu.memory_space<vmem>>) target_semaphore(%arg13 : memref<!tpu.dma_semaphore, #tpu.memory_space<semaphore_mem>>)
    %mul3A_35 = arith.constant 128 : i32
    %mul3A_36 = arith.muli %select_n3A, %mul3A_35 : i32
    %dma_start3A = tpu.memref_slice %arg2[%mul3A_36] : memref<2048xi32, #tpu.memory_space<hbm>> -> memref<128xi32, #tpu.memory_space<hbm>>
    %dma_start3A_37 = tpu.memref_slice %arg2[%mul3A_36] : memref<2048xi32, #tpu.memory_space<hbm>> -> memref<128xi32, #tpu.memory_space<hbm>>
    tpu.enqueue_dma source(%dma_start3A_37 : memref<128xi32, #tpu.memory_space<hbm>>) target(%arg9 : memref<128xi32, #tpu.memory_space<vmem>>) target_semaphore(%arg14 : memref<!tpu.dma_semaphore, #tpu.memory_space<semaphore_mem>>)
    %dma_wait3A = tpu.memref_slice %arg2[%mul3A_36] : memref<2048xi32, #tpu.memory_space<hbm>> -> memref<128xi32, #tpu.memory_space<hbm>>
    %dma_wait3A_38 = tpu.memref_slice %arg2[%mul3A_36] : memref<2048xi32, #tpu.memory_space<hbm>> -> memref<128xi32, #tpu.memory_space<hbm>>
    tpu.wait_dma2 semaphore(%arg14 : memref<!tpu.dma_semaphore, #tpu.memory_space<semaphore_mem>>) src(%dma_wait3A_38 : memref<128xi32, #tpu.memory_space<hbm>>) dst(%arg9 : memref<128xi32, #tpu.memory_space<vmem>>)
    tpu.wait_dma2 semaphore(%arg12 : memref<!tpu.dma_semaphore, #tpu.memory_space<semaphore_mem>>) src(%arg3 : memref<121x128xf32, #tpu.memory_space<hbm>>) dst(%arg7 : memref<121x128xf32, #tpu.memory_space<vmem>>)
    tpu.wait_dma2 semaphore(%arg13 : memref<!tpu.dma_semaphore, #tpu.memory_space<semaphore_mem>>) src(%arg4 : memref<121x128xf32, #tpu.memory_space<hbm>>) dst(%arg8 : memref<121x128xf32, #tpu.memory_space<vmem>>)
    %get3A = arith.constant 0 : index
    %get3A_39 = tpu.vector_load %arg9[%get3A] {strides = array<i32>} : memref<128xi32, #tpu.memory_space<vmem>>, vector<16xi32>,
    %get3A_40 = arith.constant 16 : index
    %get3A_41 = tpu.vector_load %arg9[%get3A_40] {strides = array<i32>} : memref<128xi32, #tpu.memory_space<vmem>>, vector<16xi32>,
    %get3A_42 = arith.constant 32 : index
    %get3A_43 = tpu.vector_load %arg9[%get3A_42] {strides = array<i32>} : memref<128xi32, #tpu.memory_space<vmem>>, vector<16xi32>,
    %get3A_44 = arith.constant 48 : index
    %get3A_45 = tpu.vector_load %arg9[%get3A_44] {strides = array<i32>} : memref<128xi32, #tpu.memory_space<vmem>>, vector<16xi32>,
    %get3A_46 = arith.constant 64 : index
    %get3A_47 = tpu.vector_load %arg9[%get3A_46] {strides = array<i32>} : memref<128xi32, #tpu.memory_space<vmem>>, vector<16xi32>,
    %get3A_48 = arith.constant 80 : index
    %get3A_49 = tpu.vector_load %arg9[%get3A_48] {strides = array<i32>} : memref<128xi32, #tpu.memory_space<vmem>>, vector<16xi32>,
    %get3A_50 = arith.constant 96 : index
    %get3A_51 = tpu.vector_load %arg9[%get3A_50] {strides = array<i32>} : memref<128xi32, #tpu.memory_space<vmem>>, vector<16xi32>,
    %get3A_52 = arith.constant 112 : index
    %get3A_53 = tpu.vector_load %arg9[%get3A_52] {strides = array<i32>} : memref<128xi32, #tpu.memory_space<vmem>>, vector<16xi32>,
    %parallel_loop3A = arith.constant 0 : i32
    %parallel_loop3A_54 = arith.constant 64 : i32
    %parallel_loop3A_55 = arith.constant 1 : i32
    scf.for %parallel_loop3A_72 = %parallel_loop3A to %parallel_loop3A_54 step %parallel_loop3A_55  : i32 {
      %parallel_loop3A_73 = vector.broadcast %mul3A_34 : i32 to vector<16xi32>
      %parallel_loop3A_74 = vector.broadcast %parallel_loop3A_72 : i32 to vector<16xi32>
      %parallel_loop3A_75 = arith.addi %parallel_loop3A_73, %parallel_loop3A_74 : vector<16xi32>
      %parallel_loop3A_76 = tpu.vector_load_idx %arg9[%parallel_loop3A_75] : memref<128xi32, #tpu.memory_space<vmem>>[vector<16xi32>], vector<16xi32>,
      %parallel_loop3A_77 = tpu.vector_load_idx %arg7[%parallel_loop3A_76, %get3A_39] : memref<121x128xf32, #tpu.memory_space<vmem>>[vector<16xi32>, vector<16xi32>], vector<16xf32>,
      %parallel_loop3A_78 = arith.index_cast %parallel_loop3A_72 : i32 to index
      %parallel_loop3A_79 = arith.constant 0 : index
      %parallel_loop3A_80 = tpu.vector_load %arg10[%parallel_loop3A_78, %parallel_loop3A_79] {strides = array<i32>} : memref<64x128xf32, #tpu.memory_space<vmem>>, vector<16xf32>,
      tpu.vector_store %arg10[%parallel_loop3A_78, %parallel_loop3A_79], %parallel_loop3A_77 {strides = array<i32>} : memref<64x128xf32, #tpu.memory_space<vmem>>, vector<16xf32>,
      %parallel_loop3A_81 = tpu.vector_load_idx %arg8[%parallel_loop3A_76, %get3A_39] : memref<121x128xf32, #tpu.memory_space<vmem>>[vector<16xi32>, vector<16xi32>], vector<16xf32>,
      %parallel_loop3A_82 = arith.index_cast %parallel_loop3A_72 : i32 to index
      %parallel_loop3A_83 = arith.constant 0 : index
      %parallel_loop3A_84 = tpu.vector_load %arg11[%parallel_loop3A_82, %parallel_loop3A_83] {strides = array<i32>} : memref<64x128xf32, #tpu.memory_space<vmem>>, vector<16xf32>,
      tpu.vector_store %arg11[%parallel_loop3A_82, %parallel_loop3A_83], %parallel_loop3A_81 {strides = array<i32>} : memref<64x128xf32, #tpu.memory_space<vmem>>, vector<16xf32>,
      %parallel_loop3A_85 = tpu.vector_load_idx %arg7[%parallel_loop3A_76, %get3A_41] : memref<121x128xf32, #tpu.memory_space<vmem>>[vector<16xi32>, vector<16xi32>], vector<16xf32>,
      %parallel_loop3A_86 = arith.index_cast %parallel_loop3A_72 : i32 to index
      %parallel_loop3A_87 = arith.constant 16 : index
      %parallel_loop3A_88 = tpu.vector_load %arg10[%parallel_loop3A_86, %parallel_loop3A_87] {strides = array<i32>} : memref<64x128xf32, #tpu.memory_space<vmem>>, vector<16xf32>,
      tpu.vector_store %arg10[%parallel_loop3A_86, %parallel_loop3A_87], %parallel_loop3A_85 {strides = array<i32>} : memref<64x128xf32, #tpu.memory_space<vmem>>, vector<16xf32>,
      %parallel_loop3A_89 = tpu.vector_load_idx %arg8[%parallel_loop3A_76, %get3A_41] : memref<121x128xf32, #tpu.memory_space<vmem>>[vector<16xi32>, vector<16xi32>], vector<16xf32>,
      %parallel_loop3A_90 = arith.index_cast %parallel_loop3A_72 : i32 to index
      %parallel_loop3A_91 = arith.constant 16 : index
      %parallel_loop3A_92 = tpu.vector_load %arg11[%parallel_loop3A_90, %parallel_loop3A_91] {strides = array<i32>} : memref<64x128xf32, #tpu.memory_space<vmem>>, vector<16xf32>,
      tpu.vector_store %arg11[%parallel_loop3A_90, %parallel_loop3A_91], %parallel_loop3A_89 {strides = array<i32>} : memref<64x128xf32, #tpu.memory_space<vmem>>, vector<16xf32>,
      %parallel_loop3A_93 = tpu.vector_load_idx %arg7[%parallel_loop3A_76, %get3A_43] : memref<121x128xf32, #tpu.memory_space<vmem>>[vector<16xi32>, vector<16xi32>], vector<16xf32>,
      %parallel_loop3A_94 = arith.index_cast %parallel_loop3A_72 : i32 to index
      %parallel_loop3A_95 = arith.constant 32 : index
      %parallel_loop3A_96 = tpu.vector_load %arg10[%parallel_loop3A_94, %parallel_loop3A_95] {strides = array<i32>} : memref<64x128xf32, #tpu.memory_space<vmem>>, vector<16xf32>,
      tpu.vector_store %arg10[%parallel_loop3A_94, %parallel_loop3A_95], %parallel_loop3A_93 {strides = array<i32>} : memref<64x128xf32, #tpu.memory_space<vmem>>, vector<16xf32>,
      %parallel_loop3A_97 = tpu.vector_load_idx %arg8[%parallel_loop3A_76, %get3A_43] : memref<121x128xf32, #tpu.memory_space<vmem>>[vector<16xi32>, vector<16xi32>], vector<16xf32>,
      %parallel_loop3A_98 = arith.index_cast %parallel_loop3A_72 : i32 to index
      %parallel_loop3A_99 = arith.constant 32 : index
      %parallel_loop3A_100 = tpu.vector_load %arg11[%parallel_loop3A_98, %parallel_loop3A_99] {strides = array<i32>} : memref<64x128xf32, #tpu.memory_space<vmem>>, vector<16xf32>,
      tpu.vector_store %arg11[%parallel_loop3A_98, %parallel_loop3A_99], %parallel_loop3A_97 {strides = array<i32>} : memref<64x128xf32, #tpu.memory_space<vmem>>, vector<16xf32>,
      %parallel_loop3A_101 = tpu.vector_load_idx %arg7[%parallel_loop3A_76, %get3A_45] : memref<121x128xf32, #tpu.memory_space<vmem>>[vector<16xi32>, vector<16xi32>], vector<16xf32>,
      %parallel_loop3A_102 = arith.index_cast %parallel_loop3A_72 : i32 to index
      %parallel_loop3A_103 = arith.constant 48 : index
      %parallel_loop3A_104 = tpu.vector_load %arg10[%parallel_loop3A_102, %parallel_loop3A_103] {strides = array<i32>} : memref<64x128xf32, #tpu.memory_space<vmem>>, vector<16xf32>,
      tpu.vector_store %arg10[%parallel_loop3A_102, %parallel_loop3A_103], %parallel_loop3A_101 {strides = array<i32>} : memref<64x128xf32, #tpu.memory_space<vmem>>, vector<16xf32>,
      %parallel_loop3A_105 = tpu.vector_load_idx %arg8[%parallel_loop3A_76, %get3A_45] : memref<121x128xf32, #tpu.memory_space<vmem>>[vector<16xi32>, vector<16xi32>], vector<16xf32>,
      %parallel_loop3A_106 = arith.index_cast %parallel_loop3A_72 : i32 to index
      %parallel_loop3A_107 = arith.constant 48 : index
      %parallel_loop3A_108 = tpu.vector_load %arg11[%parallel_loop3A_106, %parallel_loop3A_107] {strides = array<i32>} : memref<64x128xf32, #tpu.memory_space<vmem>>, vector<16xf32>,
      tpu.vector_store %arg11[%parallel_loop3A_106, %parallel_loop3A_107], %parallel_loop3A_105 {strides = array<i32>} : memref<64x128xf32, #tpu.memory_space<vmem>>, vector<16xf32>,
      %parallel_loop3A_109 = tpu.vector_load_idx %arg7[%parallel_loop3A_76, %get3A_47] : memref<121x128xf32, #tpu.memory_space<vmem>>[vector<16xi32>, vector<16xi32>], vector<16xf32>,
      %parallel_loop3A_110 = arith.index_cast %parallel_loop3A_72 : i32 to index
      %parallel_loop3A_111 = arith.constant 64 : index
      %parallel_loop3A_112 = tpu.vector_load %arg10[%parallel_loop3A_110, %parallel_loop3A_111] {strides = array<i32>} : memref<64x128xf32, #tpu.memory_space<vmem>>, vector<16xf32>,
      tpu.vector_store %arg10[%parallel_loop3A_110, %parallel_loop3A_111], %parallel_loop3A_109 {strides = array<i32>} : memref<64x128xf32, #tpu.memory_space<vmem>>, vector<16xf32>,
      %parallel_loop3A_113 = tpu.vector_load_idx %arg8[%parallel_loop3A_76, %get3A_47] : memref<121x128xf32, #tpu.memory_space<vmem>>[vector<16xi32>, vector<16xi32>], vector<16xf32>,
      %parallel_loop3A_114 = arith.index_cast %parallel_loop3A_72 : i32 to index
      %parallel_loop3A_115 = arith.constant 64 : index
      %parallel_loop3A_116 = tpu.vector_load %arg11[%parallel_loop3A_114, %parallel_loop3A_115] {strides = array<i32>} : memref<64x128xf32, #tpu.memory_space<vmem>>, vector<16xf32>,
      tpu.vector_store %arg11[%parallel_loop3A_114, %parallel_loop3A_115], %parallel_loop3A_113 {strides = array<i32>} : memref<64x128xf32, #tpu.memory_space<vmem>>, vector<16xf32>,
      %parallel_loop3A_117 = tpu.vector_load_idx %arg7[%parallel_loop3A_76, %get3A_49] : memref<121x128xf32, #tpu.memory_space<vmem>>[vector<16xi32>, vector<16xi32>], vector<16xf32>,
      %parallel_loop3A_118 = arith.index_cast %parallel_loop3A_72 : i32 to index
      %parallel_loop3A_119 = arith.constant 80 : index
      %parallel_loop3A_120 = tpu.vector_load %arg10[%parallel_loop3A_118, %parallel_loop3A_119] {strides = array<i32>} : memref<64x128xf32, #tpu.memory_space<vmem>>, vector<16xf32>,
      tpu.vector_store %arg10[%parallel_loop3A_118, %parallel_loop3A_119], %parallel_loop3A_117 {strides = array<i32>} : memref<64x128xf32, #tpu.memory_space<vmem>>, vector<16xf32>,
      %parallel_loop3A_121 = tpu.vector_load_idx %arg8[%parallel_loop3A_76, %get3A_49] : memref<121x128xf32, #tpu.memory_space<vmem>>[vector<16xi32>, vector<16xi32>], vector<16xf32>,
      %parallel_loop3A_122 = arith.index_cast %parallel_loop3A_72 : i32 to index
      %parallel_loop3A_123 = arith.constant 80 : index
      %parallel_loop3A_124 = tpu.vector_load %arg11[%parallel_loop3A_122, %parallel_loop3A_123] {strides = array<i32>} : memref<64x128xf32, #tpu.memory_space<vmem>>, vector<16xf32>,
      tpu.vector_store %arg11[%parallel_loop3A_122, %parallel_loop3A_123], %parallel_loop3A_121 {strides = array<i32>} : memref<64x128xf32, #tpu.memory_space<vmem>>, vector<16xf32>,
      %parallel_loop3A_125 = tpu.vector_load_idx %arg7[%parallel_loop3A_76, %get3A_51] : memref<121x128xf32, #tpu.memory_space<vmem>>[vector<16xi32>, vector<16xi32>], vector<16xf32>,
      %parallel_loop3A_126 = arith.index_cast %parallel_loop3A_72 : i32 to index
      %parallel_loop3A_127 = arith.constant 96 : index
      %parallel_loop3A_128 = tpu.vector_load %arg10[%parallel_loop3A_126, %parallel_loop3A_127] {strides = array<i32>} : memref<64x128xf32, #tpu.memory_space<vmem>>, vector<16xf32>,
      tpu.vector_store %arg10[%parallel_loop3A_126, %parallel_loop3A_127], %parallel_loop3A_125 {strides = array<i32>} : memref<64x128xf32, #tpu.memory_space<vmem>>, vector<16xf32>,
      %parallel_loop3A_129 = tpu.vector_load_idx %arg8[%parallel_loop3A_76, %get3A_51] : memref<121x128xf32, #tpu.memory_space<vmem>>[vector<16xi32>, vector<16xi32>], vector<16xf32>,
      %parallel_loop3A_130 = arith.index_cast %parallel_loop3A_72 : i32 to index
      %parallel_loop3A_131 = arith.constant 96 : index
      %parallel_loop3A_132 = tpu.vector_load %arg11[%parallel_loop3A_130, %parallel_loop3A_131] {strides = array<i32>} : memref<64x128xf32, #tpu.memory_space<vmem>>, vector<16xf32>,
      tpu.vector_store %arg11[%parallel_loop3A_130, %parallel_loop3A_131], %parallel_loop3A_129 {strides = array<i32>} : memref<64x128xf32, #tpu.memory_space<vmem>>, vector<16xf32>,
      %parallel_loop3A_133 = tpu.vector_load_idx %arg7[%parallel_loop3A_76, %get3A_53] : memref<121x128xf32, #tpu.memory_space<vmem>>[vector<16xi32>, vector<16xi32>], vector<16xf32>,
      %parallel_loop3A_134 = arith.index_cast %parallel_loop3A_72 : i32 to index
      %parallel_loop3A_135 = arith.constant 112 : index
      %parallel_loop3A_136 = tpu.vector_load %arg10[%parallel_loop3A_134, %parallel_loop3A_135] {strides = array<i32>} : memref<64x128xf32, #tpu.memory_space<vmem>>, vector<16xf32>,
      tpu.vector_store %arg10[%parallel_loop3A_134, %parallel_loop3A_135], %parallel_loop3A_133 {strides = array<i32>} : memref<64x128xf32, #tpu.memory_space<vmem>>, vector<16xf32>,
      %parallel_loop3A_137 = tpu.vector_load_idx %arg8[%parallel_loop3A_76, %get3A_53] : memref<121x128xf32, #tpu.memory_space<vmem>>[vector<16xi32>, vector<16xi32>], vector<16xf32>,
      %parallel_loop3A_138 = arith.index_cast %parallel_loop3A_72 : i32 to index
      %parallel_loop3A_139 = arith.constant 112 : index
      %parallel_loop3A_140 = tpu.vector_load %arg11[%parallel_loop3A_138, %parallel_loop3A_139] {strides = array<i32>} : memref<64x128xf32, #tpu.memory_space<vmem>>, vector<16xf32>,
      tpu.vector_store %arg11[%parallel_loop3A_138, %parallel_loop3A_139], %parallel_loop3A_137 {strides = array<i32>} : memref<64x128xf32, #tpu.memory_space<vmem>>, vector<16xf32>,
    } {sc.loop_unroll_factor = 4 : i64, sc.parallel_access}
    %dma_start3A_56 = arith.constant 0 : i32
    %dma_start3A_57 = tpu.memref_slice %arg5[%mul3A_2, %dma_start3A_56] : memref<2048x128xf32, #tpu.memory_space<hbm>> -> memref<64x128xf32, #tpu.memory_space<hbm>>
    %dma_start3A_58 = arith.constant 0 : i32
    %dma_start3A_59 = tpu.memref_slice %arg5[%mul3A_2, %dma_start3A_58] : memref<2048x128xf32, #tpu.memory_space<hbm>> -> memref<64x128xf32, #tpu.memory_space<hbm>>
    tpu.enqueue_dma source(%arg10 : memref<64x128xf32, #tpu.memory_space<vmem>>) target(%dma_start3A_59 : memref<64x128xf32, #tpu.memory_space<hbm>>) target_semaphore(%arg12 : memref<!tpu.dma_semaphore, #tpu.memory_space<semaphore_mem>>)
    %dma_start3A_60 = arith.constant 0 : i32
    %dma_start3A_61 = tpu.memref_slice %arg6[%mul3A_2, %dma_start3A_60] : memref<2048x128xf32, #tpu.memory_space<hbm>> -> memref<64x128xf32, #tpu.memory_space<hbm>>
    %dma_start3A_62 = arith.constant 0 : i32
    %dma_start3A_63 = tpu.memref_slice %arg6[%mul3A_2, %dma_start3A_62] : memref<2048x128xf32, #tpu.memory_space<hbm>> -> memref<64x128xf32, #tpu.memory_space<hbm>>
    tpu.enqueue_dma source(%arg11 : memref<64x128xf32, #tpu.memory_space<vmem>>) target(%dma_start3A_63 : memref<64x128xf32, #tpu.memory_space<hbm>>) target_semaphore(%arg13 : memref<!tpu.dma_semaphore, #tpu.memory_space<semaphore_mem>>)
    %dma_wait3A_64 = arith.constant 0 : i32
    %dma_wait3A_65 = tpu.memref_slice %arg5[%mul3A_2, %dma_wait3A_64] : memref<2048x128xf32, #tpu.memory_space<hbm>> -> memref<64x128xf32, #tpu.memory_space<hbm>>
    %dma_wait3A_66 = arith.constant 0 : i32
    %dma_wait3A_67 = tpu.memref_slice %arg5[%mul3A_2, %dma_wait3A_66] : memref<2048x128xf32, #tpu.memory_space<hbm>> -> memref<64x128xf32, #tpu.memory_space<hbm>>
    tpu.wait_dma2 semaphore(%arg12 : memref<!tpu.dma_semaphore, #tpu.memory_space<semaphore_mem>>) src(%arg10 : memref<64x128xf32, #tpu.memory_space<vmem>>) dst(%dma_wait3A_67 : memref<64x128xf32, #tpu.memory_space<hbm>>)
    %dma_wait3A_68 = arith.constant 0 : i32
    %dma_wait3A_69 = tpu.memref_slice %arg6[%mul3A_2, %dma_wait3A_68] : memref<2048x128xf32, #tpu.memory_space<hbm>> -> memref<64x128xf32, #tpu.memory_space<hbm>>
    %dma_wait3A_70 = arith.constant 0 : i32
    %dma_wait3A_71 = tpu.memref_slice %arg6[%mul3A_2, %dma_wait3A_70] : memref<2048x128xf32, #tpu.memory_space<hbm>> -> memref<64x128xf32, #tpu.memory_space<hbm>>
    tpu.wait_dma2 semaphore(%arg13 : memref<!tpu.dma_semaphore, #tpu.memory_space<semaphore_mem>>) src(%arg11 : memref<64x128xf32, #tpu.memory_space<vmem>>) dst(%dma_wait3A_71 : memref<64x128xf32, #tpu.memory_space<hbm>>)
    return
  }
}

module attributes {stable_mosaic.version = 14 : i64} {
  func.func @body(%arg0: i32, %arg1: memref<128x128xf32, #tpu.memory_space<vmem>>, %arg2: memref<128x128xf32, #tpu.memory_space<vmem>>, %arg3: memref<128x128xf32, #tpu.memory_space<vmem>>, %arg4: memref<1x128xf32, #tpu.memory_space<vmem>>, %arg5: memref<1x128xf32, #tpu.memory_space<vmem>>, %arg6: memref<128x128x128xf32, #tpu.memory_space<vmem>>, %arg7: memref<8x128xf32, #tpu.memory_space<vmem>>) attributes {dimension_semantics = [#tpu.dimension_semantics<arbitrary>], iteration_bounds = array<i64: 16>, scalar_prefetch = 0 : i64, scratch_operands = 1 : i64, tpu.core_type = #tpu.core_type<tc>, window_params = [{transform_indices = @transform_0, window_bounds = array<i64: 128, 128>}, {transform_indices = @transform_1, window_bounds = array<i64: 128, 128>}, {transform_indices = @transform_2, window_bounds = array<i64: 128, 128>}, {pipeline_mode = #tpu.pipeline_mode<synchronous>, transform_indices = @transform_3, window_bounds = array<i64: 1, 128>}, {pipeline_mode = #tpu.pipeline_mode<synchronous>, transform_indices = @transform_4, window_bounds = array<i64: 1, 128>}, {transform_indices = @transform_5, window_bounds = array<i64: 128, 128, 128>}]} {
    %eq3A = arith.constant 0 : i32
    %eq3A_0 = arith.cmpi eq, %arg0, %eq3A : i32
    %convert_element_type3A = arith.extui %eq3A_0 : i1 to i32
    %cond3A = arith.constant 0 : i32
    %cond3A_1 = arith.cmpi ne, %convert_element_type3A, %cond3A : i32
    scf.if %cond3A_1 {
      %get3A_44 = arith.constant 0 : index
      %get3A_45 = arith.constant 0 : index
      %get3A_46 = vector.load %arg5[%get3A_44, %get3A_45] : memref<1x128xf32, #tpu.memory_space<vmem>>, vector<1x128xf32>
      %get3A_47 = arith.constant 0 : index
      %get3A_48 = arith.constant 0 : index
      %get3A_49 = vector.load %arg4[%get3A_47, %get3A_48] : memref<1x128xf32, #tpu.memory_space<vmem>>, vector<1x128xf32>
      %swap3A_50 = arith.constant 0 : index
      %swap3A_51 = arith.constant 0 : index
      %swap3A_52 = vector.load %arg7[%swap3A_50, %swap3A_51] : memref<8x128xf32, #tpu.memory_space<vmem>>, vector<1x128xf32>
      tpu.vector_store %arg7[%swap3A_50, %swap3A_51], %get3A_49 {strides = array<i32>} : memref<8x128xf32, #tpu.memory_space<vmem>>, vector<1x128xf32>,
      %mul3A_53 = arith.mulf %get3A_46, %get3A_46 : vector<1x128xf32>
      %div3A = arith.constant -0.72134751 : f32
      %div3A_54 = vector.broadcast %div3A : f32 to vector<1x128xf32>
      %div3A_55 = arith.divf %div3A_54, %mul3A_53 : vector<1x128xf32>
      %swap3A_56 = arith.constant 1 : index
      %swap3A_57 = arith.constant 0 : index
      %swap3A_58 = vector.load %arg7[%swap3A_56, %swap3A_57] : memref<8x128xf32, #tpu.memory_space<vmem>>, vector<1x128xf32>
      tpu.vector_store %arg7[%swap3A_56, %swap3A_57], %div3A_55 {strides = array<i32>} : memref<8x128xf32, #tpu.memory_space<vmem>>, vector<1x128xf32>,
      %abs3A = math.absf %get3A_46 : vector<1x128xf32>
      %add3A_59 = arith.constant 9.99999974E-6 : f32
      %add3A_60 = vector.broadcast %add3A_59 : f32 to vector<1x128xf32>
      %add3A_61 = arith.addf %abs3A, %add3A_60 : vector<1x128xf32>
      %mul3A_62 = arith.constant 2.50662827 : f32
      %mul3A_63 = vector.broadcast %mul3A_62 : f32 to vector<1x128xf32>
      %mul3A_64 = arith.mulf %add3A_61, %mul3A_63 : vector<1x128xf32>
      %log3A = math.log %mul3A_64 : vector<1x128xf32>
      %log3A_65 = arith.constant 2.000000e+00 : f32
      %log3A_66 = math.log %log3A_65 : f32
      %div3A_67 = vector.broadcast %log3A_66 : f32 to vector<1x128xf32>
      %div3A_68 = arith.divf %log3A, %div3A_67 : vector<1x128xf32>
      %neg3A = arith.constant 0.000000e+00 : f32
      %neg3A_69 = vector.broadcast %neg3A : f32 to vector<1x128xf32>
      %neg3A_70 = arith.subf %neg3A_69, %div3A_68 : vector<1x128xf32>
      %swap3A_71 = arith.constant 2 : index
      %swap3A_72 = arith.constant 0 : index
      %swap3A_73 = vector.load %arg7[%swap3A_71, %swap3A_72] : memref<8x128xf32, #tpu.memory_space<vmem>>, vector<1x128xf32>
      tpu.vector_store %arg7[%swap3A_71, %swap3A_72], %neg3A_70 {strides = array<i32>} : memref<8x128xf32, #tpu.memory_space<vmem>>, vector<1x128xf32>,
    } else {
    }
    %get3A = arith.constant 0 : index
    %get3A_2 = arith.constant 0 : index
    %get3A_3 = vector.load %arg7[%get3A, %get3A_2] : memref<8x128xf32, #tpu.memory_space<vmem>>, vector<1x128xf32>
    %reshape3A = vector.shape_cast %get3A_3 : vector<1x128xf32> to vector<1x1x128xf32>
    %get3A_4 = arith.constant 1 : index
    %get3A_5 = arith.constant 0 : index
    %get3A_6 = vector.load %arg7[%get3A_4, %get3A_5] : memref<8x128xf32, #tpu.memory_space<vmem>>, vector<1x128xf32>
    %reshape3A_7 = vector.shape_cast %get3A_6 : vector<1x128xf32> to vector<1x1x128xf32>
    %get3A_8 = arith.constant 2 : index
    %get3A_9 = arith.constant 0 : index
    %get3A_10 = vector.load %arg7[%get3A_8, %get3A_9] : memref<8x128xf32, #tpu.memory_space<vmem>>, vector<1x128xf32>
    %reshape3A_11 = vector.shape_cast %get3A_10 : vector<1x128xf32> to vector<1x1x128xf32>
    %get3A_12 = arith.constant 0 : index
    %get3A_13 = arith.constant 0 : index
    %get3A_14 = vector.load %arg3[%get3A_12, %get3A_13] : memref<128x128xf32, #tpu.memory_space<vmem>>, vector<128x128xf32>
    %ne3A = arith.cmpf one, %get3A_14, %get3A_14 : vector<128x128xf32>
    %jit3A = arith.constant 0.000000e+00 : f32
    %broadcast_in_dim3A = vector.broadcast %jit3A : f32 to vector<128x128xf32>
    %select_n3A = arith.select %ne3A, %broadcast_in_dim3A, %get3A_14 : vector<128x128xi1>, vector<128x128xf32>
    %eq3A_15 = arith.constant 0x7F800000 : f32
    %eq3A_16 = vector.broadcast %eq3A_15 : f32 to vector<128x128xf32>
    %eq3A_17 = arith.cmpf oeq, %select_n3A, %eq3A_16 : vector<128x128xf32>
    %jit3A_18 = arith.constant 1.000000e+01 : f32
    %broadcast_in_dim3A_19 = vector.broadcast %jit3A_18 : f32 to vector<128x128xf32>
    %select_n3A_20 = arith.select %eq3A_17, %broadcast_in_dim3A_19, %select_n3A : vector<128x128xi1>, vector<128x128xf32>
    %eq3A_21 = arith.constant 0xFF800000 : f32
    %eq3A_22 = vector.broadcast %eq3A_21 : f32 to vector<128x128xf32>
    %eq3A_23 = arith.cmpf oeq, %select_n3A_20, %eq3A_22 : vector<128x128xf32>
    %jit3A_24 = arith.constant -3.40282347E+38 : f32
    %broadcast_in_dim3A_25 = vector.broadcast %jit3A_24 : f32 to vector<128x128xf32>
    %select_n3A_26 = arith.select %eq3A_23, %broadcast_in_dim3A_25, %select_n3A_20 : vector<128x128xi1>, vector<128x128xf32>
    %get3A_27 = arith.constant 0 : index
    %get3A_28 = arith.constant 0 : index
    %get3A_29 = vector.load %arg1[%get3A_27, %get3A_28] : memref<128x128xf32, #tpu.memory_space<vmem>>, vector<128x128xf32>
    %mul3A = arith.mulf %get3A_29, %select_n3A_26 : vector<128x128xf32>
    %get3A_30 = arith.constant 0 : index
    %get3A_31 = arith.constant 0 : index
    %get3A_32 = vector.load %arg2[%get3A_30, %get3A_31] : memref<128x128xf32, #tpu.memory_space<vmem>>, vector<128x128xf32>
    %add3A = arith.addf %mul3A, %get3A_32 : vector<128x128xf32>
    %broadcast_in_dim3A_33 = vector.shape_cast %add3A : vector<128x128xf32> to vector<128x128x1xf32>
    %sub3A = vector.broadcast %broadcast_in_dim3A_33 : vector<128x128x1xf32> to vector<128x128x128xf32>
    %sub3A_34 = vector.broadcast %reshape3A : vector<1x1x128xf32> to vector<128x128x128xf32>
    %sub3A_35 = arith.subf %sub3A, %sub3A_34 : vector<128x128x128xf32>
    %mul3A_36 = arith.mulf %sub3A_35, %sub3A_35 : vector<128x128x128xf32>
    %mul3A_37 = vector.broadcast %reshape3A_7 : vector<1x1x128xf32> to vector<128x128x128xf32>
    %mul3A_38 = arith.mulf %mul3A_36, %mul3A_37 : vector<128x128x128xf32>
    %add3A_39 = vector.broadcast %reshape3A_11 : vector<1x1x128xf32> to vector<128x128x128xf32>
    %add3A_40 = arith.addf %mul3A_38, %add3A_39 : vector<128x128x128xf32>
    %exp23A = math.exp2 %add3A_40 : vector<128x128x128xf32>
    %swap3A = arith.constant 0 : index
    %swap3A_41 = arith.constant 0 : index
    %swap3A_42 = arith.constant 0 : index
    %swap3A_43 = vector.load %arg6[%swap3A, %swap3A_41, %swap3A_42] : memref<128x128x128xf32, #tpu.memory_space<vmem>>, vector<128x128x128xf32>
    tpu.vector_store %arg6[%swap3A, %swap3A_41, %swap3A_42], %exp23A {strides = array<i32>} : memref<128x128x128xf32, #tpu.memory_space<vmem>>, vector<128x128x128xf32>,
    return
  }
  func.func @transform_0(%arg0: i32) -> (i32, i32) {
    %c0_i32 = arith.constant 0 : i32
    %c0_i32_0 = arith.constant 0 : i32
    return %arg0, %c0_i32 : i32, i32
  }
  func.func @transform_1(%arg0: i32) -> (i32, i32) {
    %c0_i32 = arith.constant 0 : i32
    %c0_i32_0 = arith.constant 0 : i32
    return %arg0, %c0_i32 : i32, i32
  }
  func.func @transform_2(%arg0: i32) -> (i32, i32) {
    %c0_i32 = arith.constant 0 : i32
    %c0_i32_0 = arith.constant 0 : i32
    return %arg0, %c0_i32 : i32, i32
  }
  func.func @transform_3(%arg0: i32) -> (i32, i32) {
    %c0_i32 = arith.constant 0 : i32
    %c0_i32_0 = arith.constant 0 : i32
    %c0_i32_1 = arith.constant 0 : i32
    return %c0_i32, %c0_i32_0 : i32, i32
  }
  func.func @transform_4(%arg0: i32) -> (i32, i32) {
    %c0_i32 = arith.constant 0 : i32
    %c0_i32_0 = arith.constant 0 : i32
    %c0_i32_1 = arith.constant 0 : i32
    return %c0_i32, %c0_i32_0 : i32, i32
  }
  func.func @transform_5(%arg0: i32) -> (i32, i32, i32) {
    %c0_i32 = arith.constant 0 : i32
    %c0_i32_0 = arith.constant 0 : i32
    %c0_i32_1 = arith.constant 0 : i32
    return %arg0, %c0_i32, %c0_i32_0 : i32, i32, i32
  }
}

</mosaic_0001>

<sc_bundles>
// kernel: kernel.4.cloned.1.call-start
scs
__scs_entry_jumppad:
0x0: {  	(pc) =	sbr.rel $0x88, $3  }
0x1: {  	(tag) =	ssettag $0x0;
	lr =	simm.s32 $0x1  }
0x2: {  	[smem:$0x3F9B] =	sst lr;
	_ =	strace $0xD0000000  }
0x3: {  	_ = 	snop  }
0x4: {  	_ = 	snop  }
0x5: {  	_ = 	snop  }
0x6: {  	_ = 	snop  }
0x7: {  	_ = 	snop  }
__scs_overlays_trampoline_lowered:
0x8: {  	[smem:$0x3FAA] =	sst s0  }
0x9: {  	[smem:$0x3FAB] =	sst s1  }
0xa: {  	[smem:$0x3FAC] =	sst s2  }
0xb: {  	[smem:$0x3FAD] =	sst s3  }
0xc: {  	[smem:$0x3FAE] =	sst s4  }
0xd: {  	[smem:$0x3FAF] =	sst s5  }
0xe: {  	[smem:$0x3FB0] =	sst s6  }
0xf: {  	[smem:$0x3FB1] =	sst s7  }
0x10: {  	[smem:$0x3FB2] =	sst s8  }
0x11: {  	[smem:$0x3FB3] =	sst s9;
	s0 =	simm.s32 @!p0 $0x0  }
0x12: {  	s1 =	sld [smem:$0x3F99];
	s0 =	simm.s32 @p0 $0x1  }
0x13: {  	[smem:$0x3FB4] =	sst s0;
	s0 =	simm.s32 @!p1 $0x0  }
0x14: {  	s2 =	sld [smem:$0x3F98];
	s0 =	simm.s32 @p1 $0x1  }
0x15: {  	[smem:$0x3FB5] =	sst s0;
	s0 =	simm.s32 @!p2 $0x0  }
0x16: {  	s3 =	sld [smem:$0x3FDB];
	s0 =	simm.s32 @p2 $0x1  }
0x17: {  	s4 =	simm.s32 $0x1BF5;
	[smem:$0x3FB7] =	sst s0  }
0x18: {  	s0 =	sld [smem:$0x3F9A];
	_ =	swait.ge [sflag:s4], $0x0  }
0x19: {  	s7 =	sld [smem:$0x3F9B]  }
0x1a: {  	s8 =	sadd.s32 $0xFFFFE003, lr  }
0x1b: {  	s9 =	sadd.s32 $0xFFFFFEF7, lr;
	s5 =	simm.s32 $0xFFFFFFFF;
	p2 =	slt.u32 s8, $0xFFFFF086  }
0x1c: {  	p1 =	slt.u32 s9, $0xF7A;
	s5 =	simm.s32 @!p2 $0x0  }
0x1d: {  	s5 =	simm.s32 @p1 $0x1;
	p0 =	seq.s32 s7, s2  }
0x1e: {  	s7 =	smul.u32 @!p0 $0xF7A, s2;
	p2 =	seq.s32 @!p0 s5, $0x0  }
0x1f: {  	s9 =	smul.u32 $0xF7A, s1;
	s8 =	simm.s32 @!p0 $0x1BF5;
	p2 =	por !p2, p0  }
0x20: {  	[sflag:s8] =	ssyncset.s32 @!p0 $0xFFFFF086;
	s6 =	sadd.s32 @!p0 s3, s7;
	s7 =	simm.s32 @!p0 $0x108  }
0x21: {  	s3 =	sadd.s32 s3, s9;
	s6 =	sadd.s32 @!p0 $0x88, s6;
	s7 =	simm.s32 @p2 $0x1082  }
0x22: {  	[simem:s7], [sflag:s8] =	dma.local @!p0 [hbm:s6], $0xF7A  }
0x23: {  	s9 =	sor.u32 $0xD0000000, s2;
	s6 =	simm.s32 $0x108;
	_ =	swait.ge @!p0 [sflag:s8], $0x0  }
0x24: {  	s3 =	sadd.s32 $0x88, s3;
	s6 =	simm.s32 @!p1 $0x1082;
	[sflag:s4] =	ssyncset.s32 $0xFFFFF086  }
0x25: {  	[simem:s6], [sflag:s4] =	dma.local [hbm:s3], $0xF7A  }
0x26: {  	[smem:$0x3F9B] =	sst s1;
	(tag) =	ssettag s2;
	_ =	strace s9  }
0x27: {  	s1 =	sld [smem:$0x3FAB]  }
0x28: {  	s2 =	sld [smem:$0x3FAC]  }
0x29: {  	s4 =	sld [smem:$0x3FAE]  }
0x2a: {  	p0 =	seq.s32 s5, $0x0;
	s5 =	sld [smem:$0x3FAF]  }
0x2b: {  	s6 =	sld [smem:$0x3FB0]  }
0x2c: {  	s7 =	sld [smem:$0x3FB1]  }
0x2d: {  	s3 =	simm.s32 $0x108;
	s8 =	sld [smem:$0x3FB2]  }
0x2e: {  	s3 =	simm.s32 @!p0 $0x1082;
	s9 =	sld [smem:$0x3FB3]  }
0x2f: {  	lr =	sadd.s32 s0, s3;
	s0 =	sld [smem:$0x3FAA]  }
0x30: {  	s3 =	sld [smem:$0x3FAD]  }
0x31: {  	[smem:$0x3FB6] =	sst s10  }
0x32: {  	s10 =	sld [smem:$0x3FB4];
	_ =	sdelay $0x3  }
0x33: {  	p0 =	seq.s32 s10, $0x1;
	s10 =	sld [smem:$0x3FB6];
	_ =	sdelay $0x3  }
0x34: {  	[smem:$0x3FB6] =	sst s10  }
0x35: {  	s10 =	sld [smem:$0x3FB5];
	_ =	sdelay $0x3  }
0x36: {  	p1 =	seq.s32 s10, $0x1;
	s10 =	sld [smem:$0x3FB6];
	_ =	sdelay $0x3  }
0x37: {  	[smem:$0x3FB6] =	sst s10  }
0x38: {  	s10 =	sld [smem:$0x3FB7]  }
0x39: {  	_ = 	snop;
	(pc) =	sbr.ind lr, $3  }
0x3a: {  	_ = 	snop  }
0x3b: {  	_ = 	snop  }
0x3c: {  	p2 =	seq.s32 s10, $0x1;
	s10 =	sld [smem:$0x3FB6]  }
0x3d: {  	_ =	shalt  }
0x3e: {  	_ =	shalt  }
0x3f: {  	_ =	shalt  }
0x40: {  	_ =	shalt  }
0x41: {  	_ =	shalt  }
0x42: {  	_ =	shalt  }
0x43: {  	_ =	shalt  }
0x44: {  	_ =	shalt  }
0x45: {  	_ =	shalt  }
0x46: {  	_ =	shalt  }
0x47: {  	_ =	shalt  }
0x48: {  	_ =	shalt  }
0x49: {  	_ =	shalt  }
0x4a: {  	_ =	shalt  }
0x4b: {  	_ =	shalt  }
0x4c: {  	_ =	shalt  }
0x4d: {  	_ =	shalt  }
0x4e: {  	_ =	shalt  }
0x4f: {  	_ =	shalt  }
0x50: {  	_ =	shalt  }
0x51: {  	_ =	shalt  }
0x52: {  	_ =	shalt  }
0x53: {  	_ =	shalt  }
0x54: {  	_ =	shalt  }
0x55: {  	_ =	shalt  }
0x56: {  	_ =	shalt  }
0x57: {  	_ =	shalt  }
0x58: {  	_ =	shalt  }
0x59: {  	_ =	shalt  }
0x5a: {  	_ =	shalt  }
0x5b: {  	_ =	shalt  }
0x5c: {  	_ =	shalt  }
0x5d: {  	_ =	shalt  }
0x5e: {  	_ =	shalt  }
0x5f: {  	_ =	shalt  }
0x60: {  	_ =	shalt  }
0x61: {  	_ =	shalt  }
0x62: {  	_ =	shalt  }
0x63: {  	_ =	shalt  }
0x64: {  	_ =	shalt  }
0x65: {  	_ =	shalt  }
0x66: {  	_ =	shalt  }
0x67: {  	_ =	shalt  }
0x68: {  	_ =	shalt  }
0x69: {  	_ =	shalt  }
0x6a: {  	_ =	shalt  }
0x6b: {  	_ =	shalt  }
0x6c: {  	_ =	shalt  }
0x6d: {  	_ =	shalt  }
0x6e: {  	_ =	shalt  }
0x6f: {  	_ =	shalt  }
0x70: {  	_ =	shalt  }
0x71: {  	_ =	shalt  }
0x72: {  	_ =	shalt  }
0x73: {  	_ =	shalt  }
0x74: {  	_ =	shalt  }
0x75: {  	_ =	shalt  }
0x76: {  	_ =	shalt  }
0x77: {  	_ =	shalt  }
0x78: {  	_ =	shalt  }
0x79: {  	_ =	shalt  }
0x7a: {  	_ =	shalt  }
0x7b: {  	_ =	shalt  }
0x7c: {  	_ =	shalt  }
0x7d: {  	_ =	shalt  }
0x7e: {  	_ =	shalt  }
0x7f: {  	_ =	shalt  }
0x80: {  	_ =	shalt  }
0x81: {  	_ =	shalt  }
0x82: {  	_ =	shalt  }
0x83: {  	_ =	shalt  }
0x84: {  	_ =	shalt  }
0x85: {  	_ =	shalt  }
0x86: {  	_ =	shalt  }
0x87: {  	_ =	shalt  }
.Lfunc_end0:
.L_simem_size_0:
called_computation_lowered:
.L_overlay_start_0:
0x88: {  	s2 =	sld [smem:$0x3FD9]  }
0x89: {  	s3 =	sld [smem:$0x3FFE];
	_ =	sdelay $0x1  }
0x8a: {  	s1 =	srdreg.scid  }
0x8b: {  	s0 =	sand.u32 $0x1, s1  }
0x8c: {  	s17 =	sshll.u32 s0, $0xA;
	s2 =	sadd.s32 s3, s2  }
0x8d: {  	s2 =	sadd.s32 s2, s17  }
0x8e: {  	[smem:$0x3FC2] =	sst s2  }
0x8f: {  	_ = 	snop  }
0x90: {  	s2 =	sld [smem:$0x3FC9]  }
0x91: {  	s18 =	sld [smem:$0x3FD0];
	(tm) =	ssettm $0x1  }
0x92: {  	s4 =	sld [smem:$0x3FFB];
	_ =	sdelay $0x3  }
0x93: {  	_ =	strace s4  }
0x94: {  	s4 =	sld [smem:$0x3FFC];
	_ =	sdelay $0x3  }
0x95: {  	_ =	strace s4  }
0x96: {  	s4 =	sld [smem:$0x3FFD];
	_ =	sdelay $0x3  }
0x97: {  	_ =	strace s4  }
0x98: {  	_ =	strace $0x8FFFFFFF  }
0x99: {  	s19 =	sld [smem:$0x3FDB];
	_ =	sdelay $0x1  }
0x9a: {  	s5 =	simm.s32 $_scs_section_size  }
0x9b: {  	s6 =	simm.s32 $_size__tile_overlayer_lowered;
	s7 =	simm.s32 $_tile_overlayer_lowered  }
0x9c: {  	s22 =	simm.s32 $0x1BFF;
	s21 =	sshll.u32 s7, $0x1;
	s4 =	sadd.s32 s5, s19  }
0x9d: {  	s8 =	simm.s32 $0x0;
	s20 =	sshll.u32 s6, $0x1;
	s6 =	sadd.s32 s21, s4  }
0x9e: {  	[timem:s8], [sflag:s22] =	dma.local [hbm:s6], s20  }
0x9f: {  	_ =	swait.ge [sflag:s22], s20  }
0xa0: {  	s5 =	ssub.s32 $0x0, s20;
	[sflag:s22] =	ssyncset.done $0x0  }
0xa1: {  	[sflag:s22] =	ssyncadd.s32 s5;
	_ =	sdelay $0x1  }
0xa2: {  	s23 =	simm.s32 $0x1B8B  }
0xa3: {  	_ =	swait.ge [sflag:s23], $0x1  }
0xa4: {  	[sflag:s23] =	ssyncset.done $0x0  }
0xa5: {  	s25 =	simm.s32 $0x1B8E;
	s24 =	sld [smem:$0x3FFE];
	[sflag:s23] =	ssyncadd.s32 $0xFFFFFFFF  }
0xa6: {  	s26 =	simm.s32 $execute0_lowered;
	[smem:$0x3FD2] =	sst s25  }
0xa7: {  	s6 =	sshll.u32 s26, $0x1;
	_ =	strace $0x80000046;
	[dreg:$0x1] =	wrdreg $0xFFFFFFFF  }
0xa8: {  	s28 =	simm.s32 $_size_execute0_lowered;
	s4 =	sadd.s32 s4, s6;
	[dreg:$0x0] =	wrdreg $0x0  }
0xa9: {  	s6 =	sshll.u32 s28, $0x1;
	[dreg:$0x2] =	wrdreg s4  }
0xaa: {  	[dreg:$0x3] =	wrdreg s6  }
0xab: {  	[dreg:$0x4] =	wrdreg $0xC0  }
0xac: {  	_ =	task [dreg:s8], $0x5FFFF  }
0xad: {  	[dreg:$0x1] =	wrdreg $0xFFFFFFFF  }
0xae: {  	[dreg:$0x0] =	wrdreg $0x60  }
0xaf: {  	[dreg:$0x2] =	wrdreg s2  }
0xb0: {  	[dreg:$0x3] =	wrdreg s24  }
0xb1: {  	[dreg:$0x4] =	wrdreg s18  }
0xb2: {  	[dreg:$0x5] =	wrdreg $0x9  }
0xb3: {  	_ =	task.clear_ibuf [dreg:s8], $0x6FFFF;
	_ =	strace $0x90000046  }
0xb4: {  	s29 =	simm.s32 $0x9;
	_ =	strace $0x80000048  }
0xb5: {  	_ =	swait.ge [sflag:s29], $0x1  }
0xb6: {  	[sflag:s29] =	ssyncadd.s32 $0xFFFFFFFF  }
0xb7: {  	_ =	strace $0x90000048  }
0xb8: {  	_ =	sfence  }
0xb9: {  	s30 =	sld [smem:$0x0];
	_ =	sdelay $0x2  }
0xba: {  	s31 =	sshll.u32 s1, $0xD;
	s1 =	sshrl.u32 s1, $0x2  }
0xbb: {  	s3 =	sand.u32 $0x4000, s31;
	s1 =	sadd.s32 s1, s30  }
0xbc: {  	s0 =	sor.u32 s3, s0;
	s1 =	sshll.u32 s1, $0x11  }
0xbd: {  	s0 =	sor.u32 s1, s0  }
0xbe: {  	s0 =	sadd.s32 $0x8F2B, s0  }
0xbf: {  	[sflag:s0] =	ssyncadd.remote.s32 $0x1  }
0xc0: {  	_ =	sfence.sel $0xFFFF  }
0xc1: {  	[dreg:$0x0] =	wrdreg $0xFFFFFFFF;
	(pc) =	sbr.abs _section_cstart, $3  }
0xc2: {  	[dreg:$0x1] =	wrdreg $0xFFFFFFFF  }
0xc3: {  	_ =	task.clear_ibuf [dreg:s8], $0x2FFFF;
	_ =	strace $0x9FFFFFFF  }
0xc4: {  	(tm) =	ssettm $0x7FFFFFFF  }
0xc5: {  	_ =	shalt  }
tec
execute0_lowered:
.L_overlay_start_1:
0x0: {  	(tag) =	ssettag $0x1  }
0x1: {  	s7 =	rddreg [dreg:$0x0]  }
0x2: {  	s5 =	rddreg [dreg:$0x1];
	s1 =	srdreg.scid  }
0x3: {  	s0 =	stileid.u32;
	s8 =	rddreg [dreg:$0x2]  }
0x4: {  	s10 =	simm.s32 $0x1;
	s13 =	simm.s32 $0x3;
	s14 =	simm.s32 $0x2  }
0x5: {  	s15 =	simm.s32 $0x8080;
	s16 =	simm.s32 $0xA080;
	s17 =	simm.s32 $0x0  }
0x6: {  	s6 =	sand.u32 $0x1, s1;
	s2 =	sshll.u32 s0, $0x1;
	s1 =	rddreg [dreg:$0x3]  }
0x7: {  	s3 =	sadd.s32 $0x1200, s5;
	s4 =	sadd.s32 $0x1A00, s5;
	s9 =	sor.u32 s6, s2  }
0x8: {  	s2 =	simm.s32 $0x0;
	p1 =	seq.s32 s6, $0x1;
	p0 =	seq.s32 s9, $0x0  }
0x9: {  	s11 =	ssub.s32 $0x2, s6;
	[smem:$0x7FF] =	sst s2;
	p0 =	por !p0, !p1  }
0xa: {  	s9 =	sshll.u32 s9, $0xA;
	s31 =	sshrl.u32 s11, $0x1;
	p0 =	por !p0, !p0  }
0xb: {  	_ =	strace $0x80000047;
	s12 =	sadd.s32 s9, s5;
	s10 =	simm.s32 @!p0 $0x0  }
0xc: {  	s11 =	ssub.s32 s11, s31;
	s5 =	sshll.u32 s6, $0x6;
	s10 =	ssub.s32 s0, s10  }
0xd: {  	s6 =	simm.s32 $0x1;
	s8 =	sadd.s32 s8, s9;
	s10 =	sshll.u32 s10, $0x4  }
0xe: {  	s9 =	sadd.s32 $0x2200, s12;
	s12 =	simm.s32 $0x8000;
	s10 =	sand.u32 $0x1FFFFFF0, s10  }
0xf: {  	s7 =	sadd.s32 s7, s10;
	s10 =	smax.u32 s11, $0x1;
	s11 =	simm.s32 $0x4000  }
.LBB2_1:
0x10: {  	[tilespmem:s2], [sflag:$0x1] =	stream.linear.gather [hbm4b:s3+s2], $0x3C80, $0x38;
	[tilespmem:$0xC080] =	vst v63  }
0x11: {  	_ = 	snop  }
0x12: {  	[tilespmem:s11], [sflag:$0x2] =	stream.linear.gather [hbm4b:s4+s2], $0x3C80, $0x38;
	[tilespmem:$0xC080] =	vst v63  }
0x13: {  	s18 =	sadd.s32 $0x0, s5  }
0x14: {  	[tilespmem:s12], [sflag:$0x3] =	stream.linear.gather [hbm4b:s7+s2], $0x80, $0x38;
	[tilespmem:$0xC080] =	vst v63  }
0x15: {  	s19 =	sadd.s32 $0x2, s18;
	_ =	swait.ge [sflag:s13], $0x80  }
0x16: {  	v0 =	vmov s19;
	[sflag:s13] =	ssyncset.done $0x0  }
0x17: {  	v0 =	vand.u32 $0xFFFFFFFE, v0;
	[sflag:s13] =	ssyncadd.s32 $0xFFFFFF80  }
0x18: {  	s26 =	sadd.s32 $0x1, s18;
	v0 =	vbroadcast v0, $0x0;
	_ =	swait.ge [sflag:s6], $0x3C80  }
0x19: {  	v1 =	vmov s26;
	[sflag:s6] =	ssyncset.done $0x0  }
0x1a: {  	v2 =	vmov s18;
	v1 =	vand.u32 $0xFFFFFFFD, v1;
	[sflag:s6] =	ssyncadd.s32 $0xFFFFC380  }
0x1b: {  	v2 =	vand.u32 $0xFFFFFFFC, v2;
	v1 =	vbroadcast v1, $0x0;
	_ =	swait.ge [sflag:s14], $0x3C80  }
0x1c: {  	v2 =	vbroadcast v2, $0x0;
	[sflag:s14] =	ssyncset.done $0x0  }
0x1d: {  	s18 =	sadd.s32 $0x3, s18;
	[sflag:s14] =	ssyncadd.s32 $0xFFFFC380  }
0x1e: {  	v3 =	vmov s18;
	v0 =	vld.idx.msk [tilespmem:v0+s12+$0x0], $0xffff  }
0x1f: {  	v7 =	vld [tilespmem:$0x8000];
	_ =	sdelay $0x1  }
0x20: {  	v1 =	vld.idx.msk [tilespmem:v1+s12+$0x0], $0xffff  }
0x21: {  	v2 =	vld.idx.msk [tilespmem:v2+s12+$0x0], $0xffff  }
0x22: {  	v15 =	vshll.u32 v0, $0x7;
	v0 =	vld.idx.msk [tilespmem:v3+s12+$0x0], $0xffff  }
0x23: {  	v6 =	vld [tilespmem:$0x8010];
	v9 =	vadd.s32 v7, v15  }
0x24: {  	v5 =	vld [tilespmem:$0x8020]  }
0x25: {  	v4 =	vld [tilespmem:$0x8030];
	v14 =	vshll.u32 v1, $0x7  }
0x26: {  	v3 =	vld [tilespmem:$0x8040];
	v8 =	vshll.u32 v2, $0x7;
	v10 =	vadd.s32 v7, v14  }
0x27: {  	v2 =	vld [tilespmem:$0x8050];
	v11 =	vadd.s32 v7, v8;
	v13 =	vshll.u32 v0, $0x7  }
0x28: {  	v12 =	vld.idx.msk [tilespmem:v9+s2+$0x0], $0xffff;
	v16 =	vadd.s32 v7, v13  }
0x29: {  	v1 =	vld [tilespmem:$0x8060]  }
0x2a: {  	v0 =	vld [tilespmem:$0x8070]  }
0x2b: {  	v17 =	vld.idx.msk [tilespmem:v10+s2+$0x0], $0xffff  }
0x2c: {  	s20 =	simm.s32 $0x8180;
	v18 =	vld.idx.msk [tilespmem:v11+s2+$0x0], $0xffff  }
0x2d: {  	[tilespmem:s20+$0x0] =	vst v12;
	v19 =	vld.idx.msk [tilespmem:v16+s2+$0x0], $0xffff  }
0x2e: {  	v9 =	vld.idx.msk [tilespmem:v9+s11+$0x0], $0xffff  }
0x2f: {  	v12 =	vadd.s32 v6, v15  }
0x30: {  	[tilespmem:s20+$0xFFFFFF80] =	vst v17  }
0x31: {  	[tilespmem:s20+$0xFFFFFF00] =	vst v18;
	v10 =	vld.idx.msk [tilespmem:v10+s11+$0x0], $0xffff  }
0x32: {  	s19 =	simm.s32 $0xA180;
	v17 =	vadd.s32 v6, v14;
	v11 =	vld.idx.msk [tilespmem:v11+s11+$0x0], $0xffff;
	[tilespmem:s20+$0x80] =	vst v19  }
0x33: {  	[tilespmem:s19+$0x0] =	vst v9;
	v9 =	vadd.s32 v6, v8;
	v16 =	vld.idx.msk [tilespmem:v16+s11+$0x0], $0xffff  }
0x34: {  	v19 =	vadd.s32 v6, v13;
	v18 =	vld.idx.msk [tilespmem:v12+s2+$0x0], $0xffff;
	_ =	sdelay $0x1  }
0x35: {  	[tilespmem:s19+$0xFFFFFF80] =	vst v10  }
0x36: {  	[tilespmem:s19+$0xFFFFFF00] =	vst v11;
	v10 =	vld.idx.msk [tilespmem:v17+s2+$0x0], $0xffff  }
0x37: {  	v11 =	vld.idx.msk [tilespmem:v9+s2+$0x0], $0xffff;
	[tilespmem:s19+$0x80] =	vst v16  }
0x38: {  	[tilespmem:s20+$0x10] =	vst v18;
	v18 =	vld.idx.msk [tilespmem:v19+s2+$0x0], $0xffff  }
0x39: {  	v12 =	vld.idx.msk [tilespmem:v12+s11+$0x0], $0xffff  }
0x3a: {  	v16 =	vadd.s32 v5, v15  }
0x3b: {  	[tilespmem:s20+$0xFFFFFF90] =	vst v10  }
0x3c: {  	v10 =	vld.idx.msk [tilespmem:v17+s11+$0x0], $0xffff;
	[tilespmem:s20+$0xFFFFFF10] =	vst v11  }
0x3d: {  	v11 =	vadd.s32 v5, v14;
	v9 =	vld.idx.msk [tilespmem:v9+s11+$0x0], $0xffff;
	[tilespmem:s20+$0x90] =	vst v18  }
0x3e: {  	[tilespmem:s19+$0x10] =	vst v12;
	v12 =	vadd.s32 v5, v8;
	v18 =	vld.idx.msk [tilespmem:v19+s11+$0x0], $0xffff  }
0x3f: {  	v19 =	vadd.s32 v5, v13;
	v17 =	vld.idx.msk [tilespmem:v16+s2+$0x0], $0xffff;
	_ =	sdelay $0x1  }
0x40: {  	[tilespmem:s19+$0xFFFFFF90] =	vst v10  }
0x41: {  	[tilespmem:s19+$0xFFFFFF10] =	vst v9;
	v9 =	vld.idx.msk [tilespmem:v11+s2+$0x0], $0xffff  }
0x42: {  	v10 =	vld.idx.msk [tilespmem:v12+s2+$0x0], $0xffff;
	[tilespmem:s19+$0x90] =	vst v18  }
0x43: {  	[tilespmem:s20+$0x20] =	vst v17;
	v18 =	vld.idx.msk [tilespmem:v19+s2+$0x0], $0xffff  }
0x44: {  	v16 =	vld.idx.msk [tilespmem:v16+s11+$0x0], $0xffff  }
0x45: {  	v17 =	vadd.s32 v4, v15  }
0x46: {  	[tilespmem:s20+$0xFFFFFFA0] =	vst v9  }
0x47: {  	[tilespmem:s20+$0xFFFFFF20] =	vst v10;
	v9 =	vld.idx.msk [tilespmem:v11+s11+$0x0], $0xffff  }
0x48: {  	v10 =	vadd.s32 v4, v14;
	v11 =	vld.idx.msk [tilespmem:v12+s11+$0x0], $0xffff;
	[tilespmem:s20+$0xA0] =	vst v18  }
0x49: {  	v12 =	vadd.s32 v4, v8;
	[tilespmem:s19+$0x20] =	vst v16;
	v18 =	vld.idx.msk [tilespmem:v19+s11+$0x0], $0xffff  }
0x4a: {  	v19 =	vadd.s32 v4, v13;
	v16 =	vld.idx.msk [tilespmem:v17+s2+$0x0], $0xffff;
	_ =	sdelay $0x1  }
0x4b: {  	[tilespmem:s19+$0xFFFFFFA0] =	vst v9  }
0x4c: {  	s28 =	sadd.s32 $0x4, s5;
	[tilespmem:s19+$0xFFFFFF20] =	vst v11;
	v9 =	vld.idx.msk [tilespmem:v10+s2+$0x0], $0xffff  }
0x4d: {  	s21 =	sadd.s32 $0x2, s28;
	v11 =	vld.idx.msk [tilespmem:v12+s2+$0x0], $0xffff;
	[tilespmem:s19+$0xA0] =	vst v18  }
0x4e: {  	s29 =	sadd.s32 $0x1, s28;
	[tilespmem:s20+$0x30] =	vst v16;
	v16 =	vmov s21;
	v21 =	vld.idx.msk [tilespmem:v19+s2+$0x0], $0xffff  }
0x4f: {  	v22 =	vmov s28;
	v18 =	vmov s29;
	v17 =	vld.idx.msk [tilespmem:v17+s11+$0x0], $0xffff;
	v16 =	vand.u32 $0xFFFFFFFE, v16  }
0x50: {  	v20 =	vadd.s32 v3, v15;
	v18 =	vand.u32 $0xFFFFFFFD, v18;
	v16 =	vbroadcast v16, $0x0  }
0x51: {  	v22 =	vand.u32 $0xFFFFFFFC, v22;
	[tilespmem:s20+$0xFFFFFFB0] =	vst v9;
	v9 =	vbroadcast v18, $0x0  }
0x52: {  	v18 =	vbroadcast v22, $0x0;
	[tilespmem:s20+$0xFFFFFF30] =	vst v11;
	v10 =	vld.idx.msk [tilespmem:v10+s11+$0x0], $0xffff  }
0x53: {  	s18 =	sadd.s32 $0x3, s28;
	v11 =	vld.idx.msk [tilespmem:v12+s11+$0x0], $0xffff;
	[tilespmem:s20+$0xB0] =	vst v21  }
0x54: {  	v12 =	vmov s18;
	[tilespmem:s19+$0x30] =	vst v17;
	v19 =	vld.idx.msk [tilespmem:v19+s11+$0x0], $0xffff  }
0x55: {  	v21 =	vadd.s32 v3, v14;
	v17 =	vld.idx.msk [tilespmem:v20+s2+$0x0], $0xffff  }
0x56: {  	v22 =	vadd.s32 v3, v8;
	v16 =	vld.idx.msk [tilespmem:v16+s12+$0x0], $0xffff  }
0x57: {  	v9 =	vld.idx.msk [tilespmem:v9+s12+$0x0], $0xffff  }
0x58: {  	v18 =	vld.idx.msk [tilespmem:v18+s12+$0x0], $0xffff  }
0x59: {  	[tilespmem:s19+$0xFFFFFFB0] =	vst v10;
	v23 =	vld.idx.msk [tilespmem:v12+s12+$0x0], $0xffff  }
0x5a: {  	v24 =	vadd.s32 v3, v13;
	[tilespmem:s19+$0xFFFFFF30] =	vst v11;
	v25 =	vld.idx.msk [tilespmem:v21+s2+$0x0], $0xffff  }
0x5b: {  	[tilespmem:s19+$0xB0] =	vst v19;
	v19 =	vld.idx.msk [tilespmem:v22+s2+$0x0], $0xffff  }
0x5c: {  	[tilespmem:s20+$0x40] =	vst v17;
	v12 =	vshll.u32 v16, $0x7  }
0x5d: {  	v16 =	vld.idx.msk [tilespmem:v20+s11+$0x0], $0xffff;
	v17 =	vadd.s32 v7, v12  }
0x5e: {  	v20 =	vadd.s32 v2, v15;
	v9 =	vshll.u32 v9, $0x7  }
0x5f: {  	v10 =	vshll.u32 v18, $0x7;
	v18 =	vadd.s32 v7, v9;
	v11 =	vshll.u32 v23, $0x7;
	v23 =	vld.idx.msk [tilespmem:v24+s2+$0x0], $0xffff;
	[tilespmem:s20+$0xFFFFFFC0] =	vst v25  }
0x60: {  	v26 =	vadd.s32 v7, v10;
	[tilespmem:s20+$0xFFFFFF40] =	vst v19;
	v19 =	vld.idx.msk [tilespmem:v21+s11+$0x0], $0xffff  }
0x61: {  	v27 =	vadd.s32 v7, v11;
	v21 =	vld.idx.msk [tilespmem:v22+s11+$0x0], $0xffff  }
0x62: {  	[tilespmem:s19+$0x40] =	vst v16;
	v28 =	vld.idx.msk [tilespmem:v17+s2+$0x0], $0xffff  }
0x63: {  	v16 =	vld.idx.msk [tilespmem:v20+s2+$0x0], $0xffff  }
0x64: {  	v29 =	vld.idx.msk [tilespmem:v18+s2+$0x0], $0xffff  }
0x65: {  	v30 =	vld.idx.msk [tilespmem:v26+s2+$0x0], $0xffff;
	[tilespmem:s20+$0xC0] =	vst v23  }
0x66: {  	s22 =	simm.s32 $0x8380;
	v25 =	vld.idx.msk [tilespmem:v27+s2+$0x0], $0xffff;
	[tilespmem:s19+$0xFFFFFFC0] =	vst v19  }
0x67: {  	v19 =	vld.idx.msk [tilespmem:v24+s11+$0x0], $0xffff;
	[tilespmem:s22+$0x0] =	vst v28  }
0x68: {  	[tilespmem:s20+$0x50] =	vst v16;
	v16 =	vadd.s32 v2, v14;
	v17 =	vld.idx.msk [tilespmem:v17+s11+$0x0], $0xffff  }
0x69: {  	[tilespmem:s22+$0xFFFFFF80] =	vst v29;
	v20 =	vld.idx.msk [tilespmem:v20+s11+$0x0], $0xffff;
	v29 =	vadd.s32 v2, v8  }
0x6a: {  	v22 =	vadd.s32 v6, v12;
	[tilespmem:s22+$0xFFFFFF00] =	vst v30;
	v18 =	vld.idx.msk [tilespmem:v18+s11+$0x0], $0xffff  }
0x6b: {  	v26 =	vld.idx.msk [tilespmem:v26+s11+$0x0], $0xffff;
	[tilespmem:s22+$0x80] =	vst v25;
	v25 =	vadd.s32 v1, v15  }
0x6c: {  	s18 =	simm.s32 $0xA380;
	[tilespmem:s19+$0xFFFFFF40] =	vst v21;
	v28 =	vadd.s32 v6, v9;
	v23 =	vld.idx.msk [tilespmem:v27+s11+$0x0], $0xffff  }
0x6d: {  	v27 =	vadd.s32 v6, v10;
	[tilespmem:s18+$0x0] =	vst v17;
	v17 =	vld.idx.msk [tilespmem:v16+s2+$0x0], $0xffff  }
0x6e: {  	v24 =	vadd.s32 v6, v11;
	[tilespmem:s19+$0xC0] =	vst v19;
	v19 =	vld.idx.msk [tilespmem:v29+s2+$0x0], $0xffff  }
0x6f: {  	[tilespmem:s19+$0x50] =	vst v20;
	v20 =	vadd.s32 v2, v13;
	v30 =	vld.idx.msk [tilespmem:v22+s2+$0x0], $0xffff  }
0x70: {  	[tilespmem:s18+$0xFFFFFF80] =	vst v18;
	v18 =	vld.idx.msk [tilespmem:v25+s2+$0x0], $0xffff  }
0x71: {  	[tilespmem:s18+$0xFFFFFF00] =	vst v26;
	v26 =	vld.idx.msk [tilespmem:v28+s2+$0x0], $0xffff  }
0x72: {  	v31 =	vld.idx.msk [tilespmem:v27+s2+$0x0], $0xffff;
	[tilespmem:s18+$0x80] =	vst v23  }
0x73: {  	v21 =	vld.idx.msk [tilespmem:v24+s2+$0x0], $0xffff;
	[tilespmem:s20+$0xFFFFFFD0] =	vst v17  }
0x74: {  	v23 =	vld.idx.msk [tilespmem:v20+s2+$0x0], $0xffff;
	[tilespmem:s20+$0xFFFFFF50] =	vst v19  }
0x75: {  	[tilespmem:s22+$0x10] =	vst v30;
	v16 =	vld.idx.msk [tilespmem:v16+s11+$0x0], $0xffff  }
0x76: {  	[tilespmem:s20+$0x60] =	vst v18;
	v22 =	vld.idx.msk [tilespmem:v22+s11+$0x0], $0xffff  }
0x77: {  	[tilespmem:s22+$0xFFFFFF90] =	vst v26;
	v18 =	vld.idx.msk [tilespmem:v25+s11+$0x0], $0xffff  }
0x78: {  	[tilespmem:s22+$0xFFFFFF10] =	vst v31;
	v26 =	vadd.s32 v5, v12;
	v25 =	vld.idx.msk [tilespmem:v28+s11+$0x0], $0xffff  }
0x79: {  	v15 =	vadd.s32 v0, v15;
	v27 =	vld.idx.msk [tilespmem:v27+s11+$0x0], $0xffff;
	[tilespmem:s22+$0x90] =	vst v21  }
0x7a: {  	v21 =	vadd.s32 v5, v9;
	v17 =	vld.idx.msk [tilespmem:v24+s11+$0x0], $0xffff;
	[tilespmem:s20+$0xD0] =	vst v23  }
0x7b: {  	v24 =	vadd.s32 v5, v10;
	[tilespmem:s19+$0xFFFFFFD0] =	vst v16;
	v16 =	vld.idx.msk [tilespmem:v20+s11+$0x0], $0xffff  }
0x7c: {  	v19 =	vadd.s32 v5, v11;
	[tilespmem:s18+$0x10] =	vst v22;
	v22 =	vld.idx.msk [tilespmem:v29+s11+$0x0], $0xffff  }
0x7d: {  	[tilespmem:s19+$0x60] =	vst v18;
	v18 =	vadd.s32 v1, v14;
	v28 =	vld.idx.msk [tilespmem:v26+s2+$0x0], $0xffff  }
0x7e: {  	v23 =	vadd.s32 v1, v8;
	[tilespmem:s18+$0xFFFFFF90] =	vst v25;
	v25 =	vld.idx.msk [tilespmem:v15+s2+$0x0], $0xffff  }
0x7f: {  	[tilespmem:s18+$0xFFFFFF10] =	vst v27;
	v27 =	vld.idx.msk [tilespmem:v21+s2+$0x0], $0xffff  }
0x80: {  	v29 =	vld.idx.msk [tilespmem:v24+s2+$0x0], $0xffff;
	[tilespmem:s18+$0x90] =	vst v17  }
0x81: {  	v17 =	vld.idx.msk [tilespmem:v19+s2+$0x0], $0xffff;
	[tilespmem:s19+$0xD0] =	vst v16  }
0x82: {  	v20 =	vld.idx.msk [tilespmem:v18+s2+$0x0], $0xffff;
	[tilespmem:s19+$0xFFFFFF50] =	vst v22  }
0x83: {  	[tilespmem:s22+$0x20] =	vst v28;
	v16 =	vld.idx.msk [tilespmem:v23+s2+$0x0], $0xffff  }
0x84: {  	[tilespmem:s20+$0x70] =	vst v25;
	v25 =	vadd.s32 v1, v13;
	v26 =	vld.idx.msk [tilespmem:v26+s11+$0x0], $0xffff  }
0x85: {  	[tilespmem:s22+$0xFFFFFFA0] =	vst v27;
	v15 =	vld.idx.msk [tilespmem:v15+s11+$0x0], $0xffff  }
0x86: {  	[tilespmem:s22+$0xFFFFFF20] =	vst v29;
	v21 =	vld.idx.msk [tilespmem:v21+s11+$0x0], $0xffff  }
0x87: {  	v27 =	vadd.s32 v4, v12;
	v24 =	vld.idx.msk [tilespmem:v24+s11+$0x0], $0xffff;
	[tilespmem:s22+$0xA0] =	vst v17  }
0x88: {  	v17 =	vadd.s32 v4, v9;
	v19 =	vld.idx.msk [tilespmem:v19+s11+$0x0], $0xffff  }
0x89: {  	v22 =	vadd.s32 v4, v10;
	[tilespmem:s20+$0xFFFFFFE0] =	vst v20;
	v20 =	vld.idx.msk [tilespmem:v25+s2+$0x0], $0xffff  }
0x8a: {  	v28 =	vadd.s32 v4, v11;
	v18 =	vld.idx.msk [tilespmem:v18+s11+$0x0], $0xffff;
	[tilespmem:s20+$0xFFFFFF60] =	vst v16  }
0x8b: {  	[tilespmem:s18+$0x20] =	vst v26;
	v16 =	vld.idx.msk [tilespmem:v23+s11+$0x0], $0xffff  }
0x8c: {  	v14 =	vadd.s32 v0, v14;
	[tilespmem:s18+$0xFFFFFFA0] =	vst v21;
	v21 =	vld.idx.msk [tilespmem:v27+s2+$0x0], $0xffff  }
0x8d: {  	[tilespmem:s18+$0xFFFFFF20] =	vst v24;
	v24 =	vld.idx.msk [tilespmem:v17+s2+$0x0], $0xffff  }
0x8e: {  	v26 =	vld.idx.msk [tilespmem:v22+s2+$0x0], $0xffff;
	[tilespmem:s18+$0xA0] =	vst v19  }
0x8f: {  	s30 =	sadd.s32 $0x8, s5;
	v19 =	vld.idx.msk [tilespmem:v28+s2+$0x0], $0xffff;
	[tilespmem:s20+$0xE0] =	vst v20  }
0x90: {  	s23 =	sadd.s32 $0x2, s30;
	[tilespmem:s19+$0xFFFFFFE0] =	vst v18;
	v18 =	vld.idx.msk [tilespmem:v25+s11+$0x0], $0xffff  }
0x91: {  	v20 =	vadd.s32 v0, v8;
	v8 =	vld.idx.msk [tilespmem:v14+s2+$0x0], $0xffff;
	[tilespmem:s22+$0x30] =	vst v21;
	v21 =	vmov s23  }
0x92: {  	s31 =	sadd.s32 $0x1, s30;
	v23 =	vadd.s32 v0, v13;
	[tilespmem:s22+$0xFFFFFFB0] =	vst v24;
	v13 =	vld.idx.msk [tilespmem:v27+s11+$0x0], $0xffff;
	v21 =	vand.u32 $0xFFFFFFFE, v21  }
0x93: {  	v25 =	vadd.s32 v3, v12;
	v24 =	vmov s31;
	[tilespmem:s22+$0xFFFFFF30] =	vst v26;
	v17 =	vld.idx.msk [tilespmem:v17+s11+$0x0], $0xffff;
	v21 =	vbroadcast v21, $0x0  }
0x94: {  	v26 =	vmov s30;
	v24 =	vand.u32 $0xFFFFFFFD, v24;
	v22 =	vld.idx.msk [tilespmem:v22+s11+$0x0], $0xffff;
	[tilespmem:s22+$0xB0] =	vst v19  }
0x95: {  	v29 =	vadd.s32 v3, v9;
	[tilespmem:s19+$0xFFFFFF60] =	vst v16;
	v19 =	vand.u32 $0xFFFFFFFC, v26;
	v24 =	vbroadcast v24, $0x0;
	v26 =	vld.idx.msk [tilespmem:v28+s11+$0x0], $0xffff  }
0x96: {  	v16 =	vbroadcast v19, $0x0;
	v19 =	vld.idx.msk [tilespmem:v20+s2+$0x0], $0xffff;
	[tilespmem:s19+$0xE0] =	vst v18  }
0x97: {  	v18 =	vld.idx.msk [tilespmem:v23+s2+$0x0], $0xffff;
	[tilespmem:s18+$0x30] =	vst v13  }
0x98: {  	s21 =	sadd.s32 $0x3, s30;
	[tilespmem:s20+$0xFFFFFFF0] =	vst v8;
	v27 =	vld.idx.msk [tilespmem:v25+s2+$0x0], $0xffff  }
0x99: {  	v13 =	vmov s21;
	[tilespmem:s18+$0xFFFFFFB0] =	vst v17;
	v8 =	vld.idx.msk [tilespmem:v21+s12+$0x0], $0xffff  }
0x9a: {  	v31 =	vld.idx.msk [tilespmem:v29+s2+$0x0], $0xffff  }
0x9b: {  	v21 =	vadd.s32 v3, v10;
	v24 =	vld.idx.msk [tilespmem:v24+s12+$0x0], $0xffff  }
0x9c: {  	[tilespmem:s20+$0xFFFFFF70] =	vst v19;
	v28 =	vld.idx.msk [tilespmem:v16+s12+$0x0], $0xffff  }
0x9d: {  	v30 =	vadd.s32 v3, v11;
	[tilespmem:s20+$0xF0] =	vst v18;
	v18 =	vld.idx.msk [tilespmem:v20+s11+$0x0], $0xffff  }
0x9e: {  	v17 =	vld.idx.msk [tilespmem:v13+s12+$0x0], $0xffff;
	[tilespmem:s22+$0x40] =	vst v27  }
0x9f: {  	[tilespmem:s18+$0xFFFFFF30] =	vst v22;
	v8 =	vshll.u32 v8, $0x7;
	v22 =	vld.idx.msk [tilespmem:v25+s11+$0x0], $0xffff  }
0xa0: {  	[tilespmem:s18+$0xB0] =	vst v26;
	v26 =	vld.idx.msk [tilespmem:v21+s2+$0x0], $0xffff;
	v25 =	vadd.s32 v7, v8  }
0xa1: {  	v14 =	vld.idx.msk [tilespmem:v14+s11+$0x0], $0xffff  }
0xa2: {  	v19 =	vld.idx.msk [tilespmem:v30+s2+$0x0], $0xffff;
	[tilespmem:s22+$0xFFFFFFC0] =	vst v31;
	v16 =	vshll.u32 v24, $0x7;
	v24 =	vadd.s32 v2, v12  }
0xa3: {  	[tilespmem:s19+$0x70] =	vst v15;
	v13 =	vshll.u32 v28, $0x7;
	v29 =	vld.idx.msk [tilespmem:v29+s11+$0x0], $0xffff;
	v27 =	vadd.s32 v7, v16  }
0xa4: {  	v20 =	vadd.s32 v7, v13;
	[tilespmem:s19+$0xFFFFFF70] =	vst v18;
	v28 =	vshll.u32 v17, $0x7;
	v17 =	vld.idx.msk [tilespmem:v23+s11+$0x0], $0xffff  }
0xa5: {  	v15 =	vadd.s32 v7, v28;
	[tilespmem:s22+$0xFFFFFF40] =	vst v26;
	v23 =	vld.idx.msk [tilespmem:v25+s2+$0x0], $0xffff  }
0xa6: {  	[tilespmem:s18+$0x40] =	vst v22;
	v18 =	vld.idx.msk [tilespmem:v21+s11+$0x0], $0xffff  }
0xa7: {  	[tilespmem:s19+$0xFFFFFFF0] =	vst v14;
	v14 =	vld.idx.msk [tilespmem:v24+s2+$0x0], $0xffff  }
0xa8: {  	[tilespmem:s22+$0xC0] =	vst v19;
	v22 =	vld.idx.msk [tilespmem:v27+s2+$0x0], $0xffff  }
0xa9: {  	s21 =	simm.s32 $0x8580;
	[tilespmem:s18+$0xFFFFFFC0] =	vst v29;
	v26 =	vld.idx.msk [tilespmem:v20+s2+$0x0], $0xffff  }
0xaa: {  	v19 =	vld.idx.msk [tilespmem:v15+s2+$0x0], $0xffff;
	[tilespmem:s21+$0x0] =	vst v23  }
0xab: {  	[tilespmem:s18+$0xFFFFFF40] =	vst v18;
	v18 =	vld.idx.msk [tilespmem:v30+s11+$0x0], $0xffff  }
0xac: {  	v29 =	vadd.s32 v2, v10;
	[tilespmem:s22+$0x50] =	vst v14;
	v21 =	vld.idx.msk [tilespmem:v25+s11+$0x0], $0xffff  }
0xad: {  	v14 =	vadd.s32 v2, v9;
	[tilespmem:s21+$0xFFFFFF80] =	vst v22;
	v22 =	vld.idx.msk [tilespmem:v24+s11+$0x0], $0xffff  }
0xae: {  	[tilespmem:s21+$0xFFFFFF00] =	vst v26;
	v24 =	vadd.s32 v6, v8;
	v23 =	vld.idx.msk [tilespmem:v27+s11+$0x0], $0xffff  }
0xaf: {  	v20 =	vld.idx.msk [tilespmem:v20+s11+$0x0], $0xffff;
	[tilespmem:s21+$0x80] =	vst v19;
	v19 =	vadd.s32 v1, v12  }
0xb0: {  	v25 =	vadd.s32 v6, v16;
	v15 =	vld.idx.msk [tilespmem:v15+s11+$0x0], $0xffff  }
0xb1: {  	s20 =	simm.s32 $0xA580;
	v26 =	vadd.s32 v6, v13;
	[tilespmem:s18+$0xC0] =	vst v18;
	v18 =	vld.idx.msk [tilespmem:v29+s2+$0x0], $0xffff  }
0xb2: {  	v27 =	vadd.s32 v6, v28;
	[tilespmem:s20+$0x0] =	vst v21;
	v21 =	vld.idx.msk [tilespmem:v14+s2+$0x0], $0xffff  }
0xb3: {  	[tilespmem:s18+$0x50] =	vst v22;
	v22 =	vadd.s32 v2, v11;
	v30 =	vld.idx.msk [tilespmem:v24+s2+$0x0], $0xffff  }
0xb4: {  	[tilespmem:s20+$0xFFFFFF80] =	vst v23;
	v23 =	vld.idx.msk [tilespmem:v19+s2+$0x0], $0xffff  }
0xb5: {  	[tilespmem:s20+$0xFFFFFF00] =	vst v20;
	v20 =	vld.idx.msk [tilespmem:v25+s2+$0x0], $0xffff  }
0xb6: {  	v31 =	vld.idx.msk [tilespmem:v26+s2+$0x0], $0xffff;
	[tilespmem:s20+$0x80] =	vst v15  }
0xb7: {  	v15 =	vld.idx.msk [tilespmem:v27+s2+$0x0], $0xffff;
	[tilespmem:s22+$0xFFFFFF50] =	vst v18  }
0xb8: {  	[tilespmem:s22+$0xFFFFFFD0] =	vst v21;
	v21 =	vld.idx.msk [tilespmem:v22+s2+$0x0], $0xffff  }
0xb9: {  	[tilespmem:s21+$0x10] =	vst v30;
	v14 =	vld.idx.msk [tilespmem:v14+s11+$0x0], $0xffff  }
0xba: {  	v24 =	vld.idx.msk [tilespmem:v24+s11+$0x0], $0xffff;
	[tilespmem:s22+$0x60] =	vst v23  }
0xbb: {  	[tilespmem:s21+$0xFFFFFF90] =	vst v20;
	v19 =	vld.idx.msk [tilespmem:v19+s11+$0x0], $0xffff  }
0xbc: {  	[tilespmem:s21+$0xFFFFFF10] =	vst v31;
	v23 =	vadd.s32 v5, v8;
	v20 =	vld.idx.msk [tilespmem:v25+s11+$0x0], $0xffff  }
0xbd: {  	v12 =	vadd.s32 v0, v12;
	v25 =	vld.idx.msk [tilespmem:v26+s11+$0x0], $0xffff;
	[tilespmem:s21+$0x90] =	vst v15  }
0xbe: {  	v15 =	vadd.s32 v5, v16;
	v26 =	vld.idx.msk [tilespmem:v27+s11+$0x0], $0xffff;
	[tilespmem:s22+$0xD0] =	vst v21  }
0xbf: {  	v18 =	vadd.s32 v5, v13;
	[tilespmem:s18+$0xFFFFFFD0] =	vst v14;
	v14 =	vld.idx.msk [tilespmem:v22+s11+$0x0], $0xffff  }
0xc0: {  	v21 =	vadd.s32 v5, v28;
	[tilespmem:s20+$0x10] =	vst v24;
	v24 =	vld.idx.msk [tilespmem:v29+s11+$0x0], $0xffff  }
0xc1: {  	v35 =	vadd.s32 v1, v11;
	v27 =	vld.idx.msk [tilespmem:v23+s2+$0x0], $0xffff;
	[tilespmem:s18+$0x60] =	vst v19  }
0xc2: {  	v19 =	vadd.s32 v1, v9;
	[tilespmem:s20+$0xFFFFFF90] =	vst v20;
	v20 =	vld.idx.msk [tilespmem:v12+s2+$0x0], $0xffff  }
0xc3: {  	v30 =	vadd.s32 v1, v10;
	[tilespmem:s20+$0xFFFFFF10] =	vst v25;
	v25 =	vld.idx.msk [tilespmem:v15+s2+$0x0], $0xffff  }
0xc4: {  	v29 =	vld.idx.msk [tilespmem:v18+s2+$0x0], $0xffff;
	[tilespmem:s20+$0x90] =	vst v26  }
0xc5: {  	v26 =	vld.idx.msk [tilespmem:v21+s2+$0x0], $0xffff;
	[tilespmem:s18+$0xD0] =	vst v14  }
0xc6: {  	[tilespmem:s18+$0xFFFFFF50] =	vst v24;
	v37 =	vld.idx.msk [tilespmem:v35+s2+$0x0], $0xffff  }
0xc7: {  	[tilespmem:s21+$0x20] =	vst v27;
	v22 =	vld.idx.msk [tilespmem:v19+s2+$0x0], $0xffff  }
0xc8: {  	v36 =	vld.idx.msk [tilespmem:v30+s2+$0x0], $0xffff;
	[tilespmem:s22+$0x70] =	vst v20  }
0xc9: {  	v23 =	vld.idx.msk [tilespmem:v23+s11+$0x0], $0xffff;
	[tilespmem:s21+$0xFFFFFFA0] =	vst v25  }
0xca: {  	[tilespmem:s21+$0xFFFFFF20] =	vst v29;
	v12 =	vld.idx.msk [tilespmem:v12+s11+$0x0], $0xffff  }
0xcb: {  	v31 =	vadd.s32 v4, v8;
	v15 =	vld.idx.msk [tilespmem:v15+s11+$0x0], $0xffff;
	[tilespmem:s21+$0xA0] =	vst v26  }
0xcc: {  	v27 =	vadd.s32 v4, v16;
	v18 =	vld.idx.msk [tilespmem:v18+s11+$0x0], $0xffff;
	[tilespmem:s22+$0xE0] =	vst v37  }
0xcd: {  	v25 =	vadd.s32 v4, v13;
	v29 =	vld.idx.msk [tilespmem:v21+s11+$0x0], $0xffff;
	[tilespmem:s22+$0xFFFFFFE0] =	vst v22  }
0xce: {  	v14 =	vadd.s32 v1, v16;
	v26 =	vadd.s32 v4, v28;
	[tilespmem:s22+$0xFFFFFF60] =	vst v36;
	v38 =	vld.idx.msk [tilespmem:v19+s11+$0x0], $0xffff  }
0xcf: {  	v24 =	vadd.s32 v0, v9;
	v9 =	vadd.s32 v0, v11;
	[tilespmem:s20+$0x20] =	vst v23;
	v30 =	vld.idx.msk [tilespmem:v30+s11+$0x0], $0xffff  }
0xd0: {  	v11 =	vadd.s32 v1, v28;
	v20 =	vadd.s32 v3, v28;
	[tilespmem:s20+$0xFFFFFFA0] =	vst v15;
	v39 =	vld.idx.msk [tilespmem:v31+s2+$0x0], $0xffff  }
0xd1: {  	v21 =	vadd.s32 v3, v13;
	v22 =	vadd.s32 v3, v16;
	[tilespmem:s20+$0xFFFFFF20] =	vst v18;
	v34 =	vld.idx.msk [tilespmem:v27+s2+$0x0], $0xffff  }
0xd2: {  	v23 =	vadd.s32 v0, v10;
	v19 =	vadd.s32 v2, v16;
	v33 =	vld.idx.msk [tilespmem:v25+s2+$0x0], $0xffff;
	[tilespmem:s20+$0xA0] =	vst v29  }
0xd3: {  	v16 =	vadd.s32 v0, v16;
	v10 =	vadd.s32 v0, v28;
	[tilespmem:s18+$0x70] =	vst v12;
	v32 =	vld.idx.msk [tilespmem:v26+s2+$0x0], $0xffff  }
0xd4: {  	s24 =	sadd.s32 $0xC, s5;
	v18 =	vadd.s32 v2, v13;
	v15 =	vadd.s32 v2, v28;
	v29 =	vld.idx.msk [tilespmem:v35+s11+$0x0], $0xffff;
	[tilespmem:s18+$0xFFFFFFE0] =	vst v38  }
0xd5: {  	s25 =	sadd.s32 $0x1, s24;
	s26 =	sadd.s32 $0x2, s24;
	s23 =	simm.s32 $0x10;
	v12 =	vadd.s32 v1, v13;
	v13 =	vadd.s32 v0, v13;
	v35 =	vmov s24;
	[tilespmem:s21+$0x30] =	vst v39;
	v28 =	vld.idx.msk [tilespmem:v24+s2+$0x0], $0xffff  }
.LBB2_2:
0xd6: {  	p0 =	slt.u32 s23, $0x3C;
	v35 =	vand.u32 $0xFFFFFFFC, v35;
	v36 =	vmov s25;
	v37 =	vmov s26;
	s24 =	sadd.s32 $0x3, s24;
	[tilespmem:s21+$0xFFFFFFB0] =	vst v34;
	v31 =	vld.idx.msk [tilespmem:v31+s11+$0x0], $0xffff  }
0xd7: {  	v34 =	vbroadcast v35, $0x0;
	v35 =	vand.u32 $0xFFFFFFFD, v36;
	v36 =	vand.u32 $0xFFFFFFFE, v37;
	[tilespmem:s21+$0xFFFFFF30] =	vst v33;
	v27 =	vld.idx.msk [tilespmem:v27+s11+$0x0], $0xffff  }
0xd8: {  	v33 =	vbroadcast v35, $0x0;
	v35 =	vbroadcast v36, $0x0;
	v25 =	vld.idx.msk [tilespmem:v25+s11+$0x0], $0xffff;
	v36 =	vadd.s32 v3, v8;
	[tilespmem:s21+$0xB0] =	vst v32  }
0xd9: {  	v32 =	vmov s24;
	v26 =	vld.idx.msk [tilespmem:v26+s11+$0x0], $0xffff;
	[tilespmem:s18+$0xFFFFFF60] =	vst v30  }
0xda: {  	v30 =	vld.idx.msk [tilespmem:v23+s2+$0x0], $0xffff;
	[tilespmem:s18+$0xE0] =	vst v29  }
0xdb: {  	[tilespmem:s22+$0xFFFFFFF0] =	vst v28;
	v28 =	vld.idx.msk [tilespmem:v9+s2+$0x0], $0xffff  }
0xdc: {  	[tilespmem:s20+$0x30] =	vst v31;
	v29 =	vld.idx.msk [tilespmem:v24+s11+$0x0], $0xffff;
	v24 =	vmov v16  }
0xdd: {  	[tilespmem:s20+$0xFFFFFFB0] =	vst v27;
	v16 =	vld.idx.msk [tilespmem:v36+s2+$0x0], $0xffff  }
0xde: {  	v27 =	vld.idx.msk [tilespmem:v35+s12+$0x0], $0xffff;
	[tilespmem:s20+$0xFFFFFF30] =	vst v25  }
0xdf: {  	v25 =	vld.idx.msk [tilespmem:v33+s12+$0x0], $0xffff;
	[tilespmem:s20+$0xB0] =	vst v26  }
0xe0: {  	v26 =	vld.idx.msk [tilespmem:v34+s12+$0x0], $0xffff;
	[tilespmem:s22+$0xFFFFFF70] =	vst v30  }
0xe1: {  	v30 =	vld.idx.msk [tilespmem:v32+s12+$0x0], $0xffff;
	[tilespmem:s22+$0xF0] =	vst v28;
	s22 =	smov.u32 s21  }
0xe2: {  	v28 =	vld.idx.msk [tilespmem:v22+s2+$0x0], $0xffff;
	[tilespmem:s18+$0xFFFFFFF0] =	vst v29  }
0xe3: {  	v29 =	vld.idx.msk [tilespmem:v21+s2+$0x0], $0xffff;
	[tilespmem:s21+$0x40] =	vst v16  }
0xe4: {  	v34 =	vshll.u32 v27, $0x7;
	v16 =	vld.idx.msk [tilespmem:v36+s11+$0x0], $0xffff;
	[tilespmem:s19+$0xF0] =	vst v17;
	s19 =	smov.u32 s18;
	s18 =	smov.u32 s20  }
0xe5: {  	v35 =	vshll.u32 v25, $0x7;
	v36 =	vadd.s32 v7, v34;
	v33 =	vld.idx.msk [tilespmem:v20+s2+$0x0], $0xffff  }
0xe6: {  	v39 =	vadd.s32 v2, v8;
	v37 =	vshll.u32 v26, $0x7;
	v38 =	vadd.s32 v7, v35;
	v40 =	vld.idx.msk [tilespmem:v23+s11+$0x0], $0xffff;
	v23 =	vmovc v13  }
0xe7: {  	v42 =	vadd.s32 v6, v35;
	v41 =	vadd.s32 v7, v37;
	v43 =	vshll.u32 v30, $0x7;
	v17 =	vld.idx.msk [tilespmem:v9+s11+$0x0], $0xffff;
	v9 =	vmovc v10  }
0xe8: {  	v44 =	vadd.s32 v6, v37;
	v45 =	vadd.s32 v7, v43;
	v46 =	vadd.s32 v6, v43;
	[tilespmem:s21+$0xFFFFFFC0] =	vst v28  }
0xe9: {  	v32 =	vadd.s32 v5, v35;
	v31 =	vadd.s32 v5, v37;
	v30 =	vadd.s32 v5, v43;
	[tilespmem:s21+$0xFFFFFF40] =	vst v29  }
0xea: {  	v27 =	vadd.s32 v4, v35;
	v25 =	vadd.s32 v4, v37;
	v47 =	vld.idx.msk [tilespmem:v36+s2+$0x0], $0xffff;
	[tilespmem:s20+$0x40] =	vst v16  }
0xeb: {  	v49 =	vadd.s32 v3, v35;
	v48 =	vadd.s32 v3, v37;
	v26 =	vadd.s32 v4, v43;
	v50 =	vld.idx.msk [tilespmem:v39+s2+$0x0], $0xffff  }
0xec: {  	v52 =	vadd.s32 v2, v35;
	v53 =	vadd.s32 v3, v43;
	v51 =	vld.idx.msk [tilespmem:v38+s2+$0x0], $0xffff;
	[tilespmem:s21+$0xC0] =	vst v33  }
0xed: {  	v55 =	vadd.s32 v2, v37;
	v56 =	vadd.s32 v2, v43;
	v33 =	vadd.s32 v1, v35;
	v54 =	vld.idx.msk [tilespmem:v41+s2+$0x0], $0xffff  }
0xee: {  	v28 =	vadd.s32 v1, v43;
	v29 =	vadd.s32 v1, v37;
	v16 =	vadd.s32 v0, v35;
	v35 =	vld.idx.msk [tilespmem:v45+s2+$0x0], $0xffff  }
0xef: {  	v13 =	vadd.s32 v0, v37;
	v10 =	vadd.s32 v0, v43;
	s21 =	sadd.s32 $0x200, s21;
	v37 =	vld.idx.msk [tilespmem:v22+s11+$0x0], $0xffff;
	[tilespmem:s19+$0xFFFFFF70] =	vst v40;
	v22 =	vmov v49  }
0xf0: {  	[tilespmem:s21+$0x0] =	vst v47;
	v40 =	vld.idx.msk [tilespmem:v21+s11+$0x0], $0xffff;
	v21 =	vmov v48  }
0xf1: {  	v36 =	vld.idx.msk [tilespmem:v36+s11+$0x0], $0xffff;
	[tilespmem:s22+$0x50] =	vst v50  }
0xf2: {  	[tilespmem:s21+$0xFFFFFF80] =	vst v51;
	v39 =	vld.idx.msk [tilespmem:v39+s11+$0x0], $0xffff  }
0xf3: {  	v43 =	vadd.s32 v6, v34;
	[tilespmem:s21+$0xFFFFFF00] =	vst v54;
	v38 =	vld.idx.msk [tilespmem:v38+s11+$0x0], $0xffff  }
0xf4: {  	v41 =	vld.idx.msk [tilespmem:v41+s11+$0x0], $0xffff;
	[tilespmem:s21+$0x80] =	vst v35;
	v35 =	vadd.s32 v1, v8  }
0xf5: {  	v45 =	vld.idx.msk [tilespmem:v45+s11+$0x0], $0xffff;
	[tilespmem:s20+$0xFFFFFFC0] =	vst v37  }
0xf6: {  	s20 =	sadd.s32 $0x200, s20;
	[tilespmem:s18+$0xFFFFFF40] =	vst v40;
	v37 =	vld.idx.msk [tilespmem:v20+s11+$0x0], $0xffff;
	v20 =	vmov v53  }
0xf7: {  	[tilespmem:s20+$0x0] =	vst v36;
	v36 =	vld.idx.msk [tilespmem:v19+s2+$0x0], $0xffff  }
0xf8: {  	v40 =	vld.idx.msk [tilespmem:v43+s2+$0x0], $0xffff;
	[tilespmem:s18+$0x50] =	vst v39  }
0xf9: {  	[tilespmem:s20+$0xFFFFFF80] =	vst v38;
	v38 =	vld.idx.msk [tilespmem:v35+s2+$0x0], $0xffff  }
0xfa: {  	[tilespmem:s20+$0xFFFFFF00] =	vst v41;
	v39 =	vld.idx.msk [tilespmem:v42+s2+$0x0], $0xffff  }
0xfb: {  	v41 =	vld.idx.msk [tilespmem:v44+s2+$0x0], $0xffff;
	[tilespmem:s20+$0x80] =	vst v45  }
0xfc: {  	v45 =	vld.idx.msk [tilespmem:v46+s2+$0x0], $0xffff;
	[tilespmem:s18+$0xC0] =	vst v37  }
0xfd: {  	v37 =	vld.idx.msk [tilespmem:v18+s2+$0x0], $0xffff;
	[tilespmem:s22+$0xFFFFFFD0] =	vst v36  }
0xfe: {  	[tilespmem:s21+$0x10] =	vst v40;
	v36 =	vld.idx.msk [tilespmem:v15+s2+$0x0], $0xffff  }
0xff: {  	v40 =	vld.idx.msk [tilespmem:v43+s11+$0x0], $0xffff;
	[tilespmem:s22+$0x60] =	vst v38  }
0x100: {  	[tilespmem:s21+$0xFFFFFF90] =	vst v39;
	v35 =	vld.idx.msk [tilespmem:v35+s11+$0x0], $0xffff  }
0x101: {  	v39 =	vadd.s32 v5, v34;
	[tilespmem:s21+$0xFFFFFF10] =	vst v41;
	v38 =	vld.idx.msk [tilespmem:v42+s11+$0x0], $0xffff  }
0x102: {  	v42 =	vadd.s32 v0, v8;
	v8 =	vmov v34;
	v41 =	vld.idx.msk [tilespmem:v44+s11+$0x0], $0xffff;
	[tilespmem:s21+$0x90] =	vst v45  }
0x103: {  	v34 =	vld.idx.msk [tilespmem:v46+s11+$0x0], $0xffff;
	[tilespmem:s22+$0xFFFFFF50] =	vst v37  }
0x104: {  	v37 =	vld.idx.msk [tilespmem:v19+s11+$0x0], $0xffff;
	[tilespmem:s22+$0xD0] =	vst v36;
	v19 =	vmov v52  }
0x105: {  	[tilespmem:s20+$0x10] =	vst v40;
	v36 =	vld.idx.msk [tilespmem:v18+s11+$0x0], $0xffff;
	v18 =	vmov v55  }
0x106: {  	v40 =	vld.idx.msk [tilespmem:v39+s2+$0x0], $0xffff;
	[tilespmem:s18+$0x60] =	vst v35  }
0x107: {  	[tilespmem:s20+$0xFFFFFF90] =	vst v38;
	v35 =	vld.idx.msk [tilespmem:v42+s2+$0x0], $0xffff  }
0x108: {  	[tilespmem:s20+$0xFFFFFF10] =	vst v41;
	v38 =	vld.idx.msk [tilespmem:v32+s2+$0x0], $0xffff  }
0x109: {  	v41 =	vld.idx.msk [tilespmem:v31+s2+$0x0], $0xffff;
	[tilespmem:s20+$0x90] =	vst v34  }
0x10a: {  	v34 =	vld.idx.msk [tilespmem:v30+s2+$0x0], $0xffff;
	[tilespmem:s18+$0xFFFFFFD0] =	vst v37  }
0x10b: {  	[tilespmem:s18+$0xFFFFFF50] =	vst v36;
	v36 =	vld.idx.msk [tilespmem:v15+s11+$0x0], $0xffff;
	v15 =	vmov v56  }
0x10c: {  	[tilespmem:s21+$0x20] =	vst v40;
	v37 =	vld.idx.msk [tilespmem:v14+s2+$0x0], $0xffff  }
0x10d: {  	v39 =	vld.idx.msk [tilespmem:v39+s11+$0x0], $0xffff;
	[tilespmem:s22+$0x70] =	vst v35  }
0x10e: {  	[tilespmem:s21+$0xFFFFFFA0] =	vst v38;
	v35 =	vld.idx.msk [tilespmem:v42+s11+$0x0], $0xffff  }
0x10f: {  	[tilespmem:s21+$0xFFFFFF20] =	vst v41;
	v32 =	vld.idx.msk [tilespmem:v32+s11+$0x0], $0xffff  }
0x110: {  	v38 =	vld.idx.msk [tilespmem:v31+s11+$0x0], $0xffff;
	v31 =	vadd.s32 v4, v8;
	[tilespmem:s21+$0xA0] =	vst v34  }
0x111: {  	v30 =	vld.idx.msk [tilespmem:v30+s11+$0x0], $0xffff;
	[tilespmem:s18+$0xD0] =	vst v36  }
0x112: {  	v36 =	vld.idx.msk [tilespmem:v12+s2+$0x0], $0xffff;
	[tilespmem:s22+$0xFFFFFFE0] =	vst v37  }
0x113: {  	[tilespmem:s20+$0x20] =	vst v39;
	v37 =	vld.idx.msk [tilespmem:v11+s2+$0x0], $0xffff  }
0x114: {  	v39 =	vld.idx.msk [tilespmem:v14+s11+$0x0], $0xffff;
	[tilespmem:s18+$0x70] =	vst v35;
	v14 =	vmov v33  }
0x115: {  	[tilespmem:s20+$0xFFFFFFA0] =	vst v32;
	v40 =	vld.idx.msk [tilespmem:v31+s2+$0x0], $0xffff  }
0x116: {  	[tilespmem:s20+$0xFFFFFF20] =	vst v38;
	v34 =	vld.idx.msk [tilespmem:v27+s2+$0x0], $0xffff  }
.Ltmp0:
0x117: {  	v33 =	vld.idx.msk [tilespmem:v25+s2+$0x0], $0xffff;
	[tilespmem:s20+$0xA0] =	vst v30;
	(pc) =	sbr.rel @p0 .LBB2_2-.Ltmp0, $4  }
0x118: {  	v32 =	vld.idx.msk [tilespmem:v26+s2+$0x0], $0xffff;
	[tilespmem:s22+$0xFFFFFF60] =	vst v36  }
0x119: {  	v30 =	vld.idx.msk [tilespmem:v12+s11+$0x0], $0xffff;
	[tilespmem:s22+$0xE0] =	vst v37;
	v12 =	vmov v29  }
0x11a: {  	s24 =	sadd.s32 s5, s23;
	[tilespmem:s18+$0xFFFFFFE0] =	vst v39;
	v29 =	vld.idx.msk [tilespmem:v11+s11+$0x0], $0xffff;
	v11 =	vmov v28  }
0x11b: {  	s23 =	sadd.s32 $0x4, s23;
	s25 =	sadd.s32 $0x1, s24;
	s26 =	sadd.s32 $0x2, s24;
	v35 =	vmov s24;
	[tilespmem:s21+$0x30] =	vst v40;
	v28 =	vld.idx.msk [tilespmem:v24+s2+$0x0], $0xffff  }
0x11c: {  	_ =	sdelay $0x1  }
0x11d: {  	v36 =	vmov s26;
	v37 =	vmov s25;
	v35 =	vand.u32 $0xFFFFFFFC, v35;
	s23 =	sadd.s32 $0x3, s24  }
0x11e: {  	v36 =	vand.u32 $0xFFFFFFFE, v36;
	v52 =	vbroadcast v35, $0x0;
	v53 =	vmov s23  }
0x11f: {  	[tilespmem:s21+$0xFFFFFFB0] =	vst v34;
	v31 =	vld.idx.msk [tilespmem:v31+s11+$0x0], $0xffff;
	v37 =	vand.u32 $0xFFFFFFFD, v37;
	v36 =	vbroadcast v36, $0x0  }
0x120: {  	[tilespmem:s21+$0xFFFFFF30] =	vst v33;
	v27 =	vld.idx.msk [tilespmem:v27+s11+$0x0], $0xffff;
	v37 =	vbroadcast v37, $0x0  }
0x121: {  	v33 =	vld.idx.msk [tilespmem:v25+s11+$0x0], $0xffff;
	[tilespmem:s21+$0xB0] =	vst v32  }
0x122: {  	v26 =	vld.idx.msk [tilespmem:v26+s11+$0x0], $0xffff  }
0x123: {  	v59 =	vld.idx.msk [tilespmem:v53+s12+$0x0], $0xffff  }
0x124: {  	[tilespmem:s18+$0xFFFFFF60] =	vst v30;
	v58 =	vld.idx.msk [tilespmem:v52+s12+$0x0], $0xffff  }
0x125: {  	v56 =	vadd.s32 v3, v8;
	[tilespmem:s18+$0xE0] =	vst v29;
	v54 =	vld.idx.msk [tilespmem:v36+s12+$0x0], $0xffff  }
0x126: {  	[tilespmem:s22+$0xFFFFFFF0] =	vst v28;
	v55 =	vld.idx.msk [tilespmem:v37+s12+$0x0], $0xffff  }
0x127: {  	v57 =	vld.idx.msk [tilespmem:v23+s2+$0x0], $0xffff;
	[tilespmem:s20+$0x30] =	vst v31  }
0x128: {  	v60 =	vld.idx.msk [tilespmem:v9+s2+$0x0], $0xffff;
	[tilespmem:s20+$0xFFFFFFB0] =	vst v27;
	v27 =	vshll.u32 v59, $0x7  }
0x129: {  	v61 =	vld.idx.msk [tilespmem:v24+s11+$0x0], $0xffff;
	[tilespmem:s20+$0xB0] =	vst v26;
	v26 =	vshll.u32 v58, $0x7;
	v44 =	vadd.s32 v7, v27  }
0x12a: {  	[tilespmem:s19+$0xF0] =	vst v17;
	v63 =	vld.idx.msk [tilespmem:v56+s2+$0x0], $0xffff;
	v25 =	vshll.u32 v54, $0x7;
	v42 =	vadd.s32 v7, v26  }
0x12b: {  	[tilespmem:s20+$0xFFFFFF30] =	vst v33;
	v41 =	vld.idx.msk [tilespmem:v22+s2+$0x0], $0xffff;
	v24 =	vshll.u32 v55, $0x7;
	v62 =	vadd.s32 v7, v25  }
0x12c: {  	v43 =	vld.idx.msk [tilespmem:v21+s2+$0x0], $0xffff;
	[tilespmem:s22+$0xFFFFFF70] =	vst v57;
	v40 =	vadd.s32 v7, v24  }
0x12d: {  	v50 =	vld.idx.msk [tilespmem:v20+s2+$0x0], $0xffff;
	[tilespmem:s22+$0xF0] =	vst v60  }
0x12e: {  	[tilespmem:s18+$0xFFFFFFF0] =	vst v61;
	v49 =	vld.idx.msk [tilespmem:v44+s2+$0x0], $0xffff  }
0x12f: {  	[tilespmem:s21+$0x40] =	vst v63;
	v48 =	vld.idx.msk [tilespmem:v42+s2+$0x0], $0xffff  }
0x130: {  	[tilespmem:s21+$0xFFFFFFC0] =	vst v41;
	v45 =	vld.idx.msk [tilespmem:v62+s2+$0x0], $0xffff  }
0x131: {  	[tilespmem:s21+$0xFFFFFF40] =	vst v43;
	v46 =	vld.idx.msk [tilespmem:v40+s2+$0x0], $0xffff  }
0x132: {  	s30 =	sadd.s32 $0x200, s21;
	v53 =	vld.idx.msk [tilespmem:v23+s11+$0x0], $0xffff;
	[tilespmem:s21+$0xC0] =	vst v50  }
0x133: {  	v47 =	vld.idx.msk [tilespmem:v56+s11+$0x0], $0xffff;
	[tilespmem:s30+$0x80] =	vst v49  }
0x134: {  	[tilespmem:s30+$0xFFFFFF00] =	vst v48;
	v7 =	vld.idx.msk [tilespmem:v44+s11+$0x0], $0xffff  }
0x135: {  	v56 =	vadd.s32 v6, v27;
	[tilespmem:s30+$0x0] =	vst v45;
	v17 =	vld.idx.msk [tilespmem:v42+s11+$0x0], $0xffff  }
0x136: {  	v55 =	vadd.s32 v6, v26;
	[tilespmem:s30+$0xFFFFFF80] =	vst v46;
	v30 =	vld.idx.msk [tilespmem:v62+s11+$0x0], $0xffff  }
0x137: {  	v52 =	vadd.s32 v6, v25;
	[tilespmem:s18+$0xFFFFFF70] =	vst v53;
	v32 =	vld.idx.msk [tilespmem:v40+s11+$0x0], $0xffff  }
0x138: {  	s31 =	sadd.s32 $0x200, s20;
	v59 =	vld.idx.msk [tilespmem:v22+s11+$0x0], $0xffff;
	v54 =	vadd.s32 v6, v24;
	[tilespmem:s20+$0x40] =	vst v47  }
0x139: {  	v60 =	vld.idx.msk [tilespmem:v21+s11+$0x0], $0xffff;
	[tilespmem:s31+$0x80] =	vst v7  }
0x13a: {  	v51 =	vadd.s32 v2, v8;
	[tilespmem:s31+$0xFFFFFF00] =	vst v17;
	v7 =	vld.idx.msk [tilespmem:v56+s2+$0x0], $0xffff  }
0x13b: {  	[tilespmem:s31+$0x0] =	vst v30;
	v17 =	vld.idx.msk [tilespmem:v55+s2+$0x0], $0xffff  }
0x13c: {  	[tilespmem:s31+$0xFFFFFF80] =	vst v32;
	v30 =	vld.idx.msk [tilespmem:v52+s2+$0x0], $0xffff  }
0x13d: {  	[tilespmem:s20+$0xFFFFFFC0] =	vst v59;
	v58 =	vld.idx.msk [tilespmem:v54+s2+$0x0], $0xffff  }
0x13e: {  	v36 =	vld.idx.msk [tilespmem:v20+s11+$0x0], $0xffff;
	[tilespmem:s20+$0xFFFFFF40] =	vst v60  }
0x13f: {  	v57 =	vld.idx.msk [tilespmem:v51+s2+$0x0], $0xffff;
	[tilespmem:s30+$0x90] =	vst v7  }
0x140: {  	[tilespmem:s30+$0xFFFFFF10] =	vst v17;
	v6 =	vld.idx.msk [tilespmem:v56+s11+$0x0], $0xffff  }
0x141: {  	v35 =	vadd.s32 v5, v27;
	[tilespmem:s30+$0x10] =	vst v30;
	v17 =	vld.idx.msk [tilespmem:v55+s11+$0x0], $0xffff  }
0x142: {  	v34 =	vadd.s32 v5, v26;
	[tilespmem:s30+$0xFFFFFF90] =	vst v58;
	v61 =	vld.idx.msk [tilespmem:v52+s11+$0x0], $0xffff  }
0x143: {  	v63 =	vadd.s32 v5, v25;
	[tilespmem:s20+$0xC0] =	vst v36;
	v62 =	vld.idx.msk [tilespmem:v54+s11+$0x0], $0xffff  }
0x144: {  	v33 =	vadd.s32 v5, v24;
	v39 =	vld.idx.msk [tilespmem:v19+s2+$0x0], $0xffff;
	[tilespmem:s21+$0x50] =	vst v57  }
0x145: {  	v43 =	vld.idx.msk [tilespmem:v18+s2+$0x0], $0xffff;
	[tilespmem:s31+$0x90] =	vst v6  }
0x146: {  	[tilespmem:s31+$0xFFFFFF10] =	vst v17;
	v6 =	vld.idx.msk [tilespmem:v35+s2+$0x0], $0xffff  }
0x147: {  	[tilespmem:s31+$0x10] =	vst v61;
	v17 =	vld.idx.msk [tilespmem:v34+s2+$0x0], $0xffff  }
0x148: {  	[tilespmem:s31+$0xFFFFFF90] =	vst v62;
	v38 =	vld.idx.msk [tilespmem:v63+s2+$0x0], $0xffff  }
0x149: {  	[tilespmem:s21+$0xFFFFFFD0] =	vst v39;
	v22 =	vld.idx.msk [tilespmem:v33+s2+$0x0], $0xffff  }
0x14a: {  	v31 =	vld.idx.msk [tilespmem:v51+s11+$0x0], $0xffff;
	[tilespmem:s21+$0xFFFFFF50] =	vst v43  }
0x14b: {  	v46 =	vld.idx.msk [tilespmem:v15+s2+$0x0], $0xffff;
	[tilespmem:s30+$0xA0] =	vst v6  }
0x14c: {  	[tilespmem:s30+$0xFFFFFF20] =	vst v17;
	v5 =	vld.idx.msk [tilespmem:v35+s11+$0x0], $0xffff  }
0x14d: {  	v45 =	vadd.s32 v4, v27;
	[tilespmem:s30+$0x20] =	vst v38;
	v7 =	vld.idx.msk [tilespmem:v34+s11+$0x0], $0xffff  }
0x14e: {  	v44 =	vadd.s32 v4, v26;
	[tilespmem:s30+$0xFFFFFFA0] =	vst v22;
	v23 =	vld.idx.msk [tilespmem:v63+s11+$0x0], $0xffff  }
0x14f: {  	v41 =	vadd.s32 v4, v25;
	[tilespmem:s20+$0x50] =	vst v31;
	v22 =	vld.idx.msk [tilespmem:v33+s11+$0x0], $0xffff  }
0x150: {  	v42 =	vadd.s32 v4, v24;
	v48 =	vld.idx.msk [tilespmem:v19+s11+$0x0], $0xffff;
	[tilespmem:s21+$0xD0] =	vst v46  }
0x151: {  	v37 =	vadd.s32 v1, v8;
	v60 =	vld.idx.msk [tilespmem:v15+s11+$0x0], $0xffff;
	[tilespmem:s31+$0xA0] =	vst v5  }
0x152: {  	[tilespmem:s31+$0xFFFFFF20] =	vst v7;
	v5 =	vld.idx.msk [tilespmem:v45+s2+$0x0], $0xffff  }
0x153: {  	[tilespmem:s31+$0x20] =	vst v23;
	v7 =	vld.idx.msk [tilespmem:v44+s2+$0x0], $0xffff  }
0x154: {  	[tilespmem:s31+$0xFFFFFFA0] =	vst v22;
	v47 =	vld.idx.msk [tilespmem:v41+s2+$0x0], $0xffff  }
0x155: {  	[tilespmem:s20+$0xFFFFFFD0] =	vst v48;
	v22 =	vld.idx.msk [tilespmem:v42+s2+$0x0], $0xffff  }
0x156: {  	v40 =	vld.idx.msk [tilespmem:v37+s2+$0x0], $0xffff;
	[tilespmem:s20+$0xD0] =	vst v60  }
0x157: {  	v60 =	vld.idx.msk [tilespmem:v9+s11+$0x0], $0xffff;
	[tilespmem:s30+$0xB0] =	vst v5  }
0x158: {  	[tilespmem:s30+$0xFFFFFF30] =	vst v7;
	v4 =	vld.idx.msk [tilespmem:v45+s11+$0x0], $0xffff  }
0x159: {  	v56 =	vadd.s32 v3, v27;
	[tilespmem:s30+$0x30] =	vst v47;
	v6 =	vld.idx.msk [tilespmem:v44+s11+$0x0], $0xffff  }
0x15a: {  	v55 =	vadd.s32 v3, v26;
	[tilespmem:s30+$0xFFFFFFB0] =	vst v22;
	v50 =	vld.idx.msk [tilespmem:v41+s11+$0x0], $0xffff  }
0x15b: {  	[tilespmem:s21+$0x60] =	vst v40;
	v52 =	vadd.s32 v3, v25;
	v51 =	vld.idx.msk [tilespmem:v42+s11+$0x0], $0xffff  }
0x15c: {  	v53 =	vadd.s32 v3, v24;
	v21 =	vld.idx.msk [tilespmem:v37+s11+$0x0], $0xffff;
	[tilespmem:s18+$0xF0] =	vst v60  }
0x15d: {  	v49 =	vadd.s32 v0, v8;
	v54 =	vld.idx.msk [tilespmem:v18+s11+$0x0], $0xffff;
	[tilespmem:s31+$0xB0] =	vst v4  }
0x15e: {  	[tilespmem:s31+$0xFFFFFF30] =	vst v6;
	v62 =	vld.idx.msk [tilespmem:v56+s2+$0x0], $0xffff  }
0x15f: {  	[tilespmem:s31+$0x30] =	vst v50;
	v61 =	vld.idx.msk [tilespmem:v55+s2+$0x0], $0xffff  }
0x160: {  	[tilespmem:s31+$0xFFFFFFB0] =	vst v51;
	v58 =	vld.idx.msk [tilespmem:v52+s2+$0x0], $0xffff  }
0x161: {  	[tilespmem:s20+$0x60] =	vst v21;
	v59 =	vld.idx.msk [tilespmem:v53+s2+$0x0], $0xffff  }
0x162: {  	v57 =	vld.idx.msk [tilespmem:v49+s2+$0x0], $0xffff;
	[tilespmem:s20+$0xFFFFFF50] =	vst v54  }
0x163: {  	v31 =	vld.idx.msk [tilespmem:v12+s2+$0x0], $0xffff;
	[tilespmem:s30+$0xC0] =	vst v62  }
0x164: {  	[tilespmem:s30+$0xFFFFFF40] =	vst v61;
	v3 =	vld.idx.msk [tilespmem:v56+s11+$0x0], $0xffff  }
0x165: {  	v30 =	vadd.s32 v2, v27;
	[tilespmem:s30+$0x40] =	vst v58;
	v4 =	vld.idx.msk [tilespmem:v55+s11+$0x0], $0xffff  }
0x166: {  	v29 =	vadd.s32 v2, v26;
	[tilespmem:s30+$0xFFFFFFC0] =	vst v59;
	v17 =	vld.idx.msk [tilespmem:v52+s11+$0x0], $0xffff  }
0x167: {  	[tilespmem:s21+$0x70] =	vst v57;
	v23 =	vadd.s32 v2, v25;
	v18 =	vld.idx.msk [tilespmem:v53+s11+$0x0], $0xffff  }
0x168: {  	v28 =	vadd.s32 v2, v24;
	v8 =	vld.idx.msk [tilespmem:v49+s11+$0x0], $0xffff;
	[tilespmem:s21+$0xFFFFFF60] =	vst v31  }
0x169: {  	v63 =	vld.idx.msk [tilespmem:v14+s2+$0x0], $0xffff;
	[tilespmem:s31+$0xC0] =	vst v3  }
0x16a: {  	[tilespmem:s31+$0xFFFFFF40] =	vst v4;
	v36 =	vld.idx.msk [tilespmem:v30+s2+$0x0], $0xffff  }
0x16b: {  	[tilespmem:s31+$0x40] =	vst v17;
	v35 =	vld.idx.msk [tilespmem:v29+s2+$0x0], $0xffff  }
0x16c: {  	[tilespmem:s31+$0xFFFFFFC0] =	vst v18;
	v32 =	vld.idx.msk [tilespmem:v23+s2+$0x0], $0xffff  }
0x16d: {  	[tilespmem:s20+$0x70] =	vst v8;
	v33 =	vld.idx.msk [tilespmem:v28+s2+$0x0], $0xffff  }
0x16e: {  	v34 =	vld.idx.msk [tilespmem:v11+s2+$0x0], $0xffff;
	[tilespmem:s21+$0xFFFFFFE0] =	vst v63  }
0x16f: {  	v37 =	vld.idx.msk [tilespmem:v14+s11+$0x0], $0xffff;
	[tilespmem:s30+$0xD0] =	vst v36  }
0x170: {  	[tilespmem:s30+$0xFFFFFF50] =	vst v35;
	v2 =	vld.idx.msk [tilespmem:v30+s11+$0x0], $0xffff  }
0x171: {  	v43 =	vadd.s32 v1, v27;
	[tilespmem:s30+$0x50] =	vst v32;
	v3 =	vld.idx.msk [tilespmem:v29+s11+$0x0], $0xffff  }
0x172: {  	v42 =	vadd.s32 v1, v26;
	[tilespmem:s30+$0xFFFFFFD0] =	vst v33;
	v7 =	vld.idx.msk [tilespmem:v23+s11+$0x0], $0xffff  }
0x173: {  	v38 =	vadd.s32 v1, v25;
	[tilespmem:s21+$0xE0] =	vst v34;
	v39 =	vld.idx.msk [tilespmem:v28+s11+$0x0], $0xffff  }
0x174: {  	v40 =	vadd.s32 v1, v24;
	[tilespmem:s20+$0xFFFFFFE0] =	vst v37;
	v44 =	vld.idx.msk [tilespmem:v11+s11+$0x0], $0xffff  }
0x175: {  	v41 =	vld.idx.msk [tilespmem:v12+s11+$0x0], $0xffff;
	[tilespmem:s31+$0xD0] =	vst v2  }
0x176: {  	[tilespmem:s31+$0xFFFFFF50] =	vst v3;
	v49 =	vld.idx.msk [tilespmem:v43+s2+$0x0], $0xffff  }
0x177: {  	[tilespmem:s31+$0x50] =	vst v7;
	v48 =	vld.idx.msk [tilespmem:v42+s2+$0x0], $0xffff  }
0x178: {  	[tilespmem:s31+$0xFFFFFFD0] =	vst v39;
	v45 =	vld.idx.msk [tilespmem:v38+s2+$0x0], $0xffff  }
0x179: {  	[tilespmem:s20+$0xE0] =	vst v44;
	v46 =	vld.idx.msk [tilespmem:v40+s2+$0x0], $0xffff  }
0x17a: {  	v47 =	vld.idx.msk [tilespmem:v16+s2+$0x0], $0xffff;
	[tilespmem:s20+$0xFFFFFF60] =	vst v41  }
0x17b: {  	v54 =	vld.idx.msk [tilespmem:v10+s2+$0x0], $0xffff;
	[tilespmem:s30+$0xE0] =	vst v49  }
0x17c: {  	[tilespmem:s30+$0xFFFFFF60] =	vst v48;
	v1 =	vld.idx.msk [tilespmem:v43+s11+$0x0], $0xffff  }
0x17d: {  	v56 =	vadd.s32 v0, v27;
	[tilespmem:s30+$0x60] =	vst v45;
	v2 =	vld.idx.msk [tilespmem:v42+s11+$0x0], $0xffff  }
0x17e: {  	v55 =	vadd.s32 v0, v26;
	[tilespmem:s30+$0xFFFFFFE0] =	vst v46;
	v6 =	vld.idx.msk [tilespmem:v38+s11+$0x0], $0xffff  }
0x17f: {  	[tilespmem:s21+$0xFFFFFFF0] =	vst v47;
	v51 =	vadd.s32 v0, v25;
	v52 =	vld.idx.msk [tilespmem:v40+s11+$0x0], $0xffff  }
0x180: {  	v50 =	vld.idx.msk [tilespmem:v13+s2+$0x0], $0xffff;
	[tilespmem:s21+$0xF0] =	vst v54;
	v53 =	vadd.s32 v0, v24  }
0x181: {  	v57 =	vld.idx.msk [tilespmem:v16+s11+$0x0], $0xffff;
	[tilespmem:s31+$0xE0] =	vst v1  }
0x182: {  	[tilespmem:s31+$0xFFFFFF60] =	vst v2;
	v1 =	vld.idx.msk [tilespmem:v56+s2+$0x0], $0xffff  }
0x183: {  	[tilespmem:s31+$0x60] =	vst v6;
	v2 =	vld.idx.msk [tilespmem:v55+s2+$0x0], $0xffff  }
0x184: {  	[tilespmem:s31+$0xFFFFFFE0] =	vst v52;
	v58 =	vld.idx.msk [tilespmem:v51+s2+$0x0], $0xffff  }
0x185: {  	[tilespmem:s21+$0xFFFFFF70] =	vst v50;
	v59 =	vld.idx.msk [tilespmem:v53+s2+$0x0], $0xffff  }
0x186: {  	[tilespmem:s20+$0xFFFFFFF0] =	vst v57;
	v62 =	vld.idx.msk [tilespmem:v10+s11+$0x0], $0xffff  }
0x187: {  	v61 =	vld.idx.msk [tilespmem:v13+s11+$0x0], $0xffff;
	[tilespmem:s30+$0xF0] =	vst v1  }
0x188: {  	[tilespmem:s30+$0xFFFFFF70] =	vst v2;
	v0 =	vld.idx.msk [tilespmem:v56+s11+$0x0], $0xffff  }
0x189: {  	[tilespmem:s30+$0x70] =	vst v58;
	v63 =	vld.idx.msk [tilespmem:v55+s11+$0x0], $0xffff  }
0x18a: {  	[tilespmem:s30+$0xFFFFFFF0] =	vst v59;
	v5 =	vld.idx.msk [tilespmem:v51+s11+$0x0], $0xffff  }
0x18b: {  	[tilespmem:s20+$0xF0] =	vst v62;
	v6 =	vld.idx.msk [tilespmem:v53+s11+$0x0], $0xffff  }
0x18c: {  	[tilespmem:s20+$0xFFFFFF70] =	vst v61  }
0x18d: {  	[tilespmem:s31+$0xF0] =	vst v0  }
0x18e: {  	[tilespmem:s31+$0xFFFFFF70] =	vst v63  }
0x18f: {  	[tilespmem:s31+$0x70] =	vst v5  }
0x190: {  	[tilespmem:s31+$0xFFFFFFF0] =	vst v6  }
0x191: {  	[hbm4b:s8+s2] =	stream.linear.scatter [tilespmem:s15], [sflag:$0x1], $0x2000, $0x38;
	[tilespmem:$0xC080] =	vst v63  }
0x192: {  	s17 =	sadd.s32 $0x1, s17  }
0x193: {  	[hbm4b:s9+s2] =	stream.linear.scatter [tilespmem:s16], [sflag:$0x2], $0x2000, $0x38;
	[tilespmem:$0xC080] =	vst v63  }
0x194: {  	p0 =	sne.s32 s17, s10;
	_ =	swait.ge [sflag:s6], $0x2000  }
.Ltmp1:
0x195: {  	[sflag:s6] =	ssyncset.done $0x0;
	(pc) =	sbr.rel @p0 .LBB2_1-.Ltmp1, $4  }
0x196: {  	[sflag:s6] =	ssyncadd.s32 $0xFFFFE000  }
0x197: {  	_ =	swait.ge [sflag:s14], $0x2000  }
0x198: {  	[sflag:s14] =	ssyncset.done $0x0  }
0x199: {  	[sflag:s14] =	ssyncadd.s32 $0xFFFFE000  }
0x19a: {  	_ =	sfence.sel $0x180000  }
0x19b: {  	[bflag:$0x0] =	sbarrier.arrive $0xFFFF  }
0x19c: {  	p0 =	sne.s32 s0, $0x0;
	_ =	strace $0x90000047  }
0x19d: {  	s0 =	sadd.s32 @!p0 $0x100000, s1;
	[bflag:$0x2] =	sbarrier.arrive $0xFFFF  }
0x19e: {  	[sflag:s0] =	ssyncadd.tile.s32 @!p0 $0x1;
	_ =	shalt  }
.Lfunc_end2:
_tile_overlayer_lowered:
.L_overlay_start_2:
0x19f: {  	(tag) =	ssettag $0x2  }
0x1a0: {  	s0 =	rddreg [dreg:$0x0];
	s2 =	stileid.u32  }
0x1a1: {  	s1 =	rddreg [dreg:$0x1];
	p0 =	sne.s32 s2, $0x0  }
0x1a2: {  	s3 =	rddreg [dreg:$0x2];
	[bflag:$0x3] =	sbarrier.arrive $0xFFFF;
	s2 =	simm.s32 @!p0 $0x1C04  }
0x1a3: {  	[timem:s3], [sflag:s2] =	dma.local @!p0 [hbm:s0], s1  }
0x1a4: {  	s0 =	simm.s32 @!p0 $0x4  }
0x1a5: {  	_ =	swait.ge @!p0 [sflag:s0], s1  }
0x1a6: {  	s1 =	ssub.s32 @!p0 $0x0, s1;
	[sflag:s0] =	ssyncset.done @!p0 $0x0  }
0x1a7: {  	[sflag:s0] =	ssyncadd.s32 @!p0 s1  }
0x1a8: {  	[bflag:$0x3] =	sbarrier.arrive $0xFFFF  }
0x1a9: {  	_ =	shalt  }

</sc_bundles>
